<compile_context>
chip_gen: v7x
topology: tpu7x:2x2x1
jax: 0.10.2.dev20260603
libtpu: 0.0.44.dev20260713+nightly
codegen_flags: <defaults>
</compile_context>

<pallas_src>
import functools

import jax
import jax.numpy as jnp
from jax import lax
from jax.experimental import pallas as pl
from jax.experimental.pallas import tpu as pltpu
from jax.experimental.pallas import tpu_sc as plsc

NUM_CORES = 2
NUM_SUBCORES = 16
NW = NUM_CORES * NUM_SUBCORES
NBUF = 8


@functools.cache
def _make_gather(B, XC, D):
    b_per_w = B // NW
    xrows_per_w = b_per_w // XC
    nchunk = xrows_per_w
    assert nchunk % NBUF == 0
    mesh = plsc.VectorSubcoreMesh(
        core_axis_name="c", subcore_axis_name="s",
        num_cores=NUM_CORES, num_subcores=NUM_SUBCORES)

    @functools.partial(
        pl.kernel, mesh=mesh,
        out_type=jax.ShapeDtypeStruct((B, D), jnp.float32),
        scratch_types=[
            pltpu.VMEM((xrows_per_w, XC), jnp.int32),
            pltpu.VMEM((NBUF, XC, D), jnp.float32),
        ] + [pltpu.SemaphoreType.DMA] * (2 * NBUF),
    )
    def k(x_hbm, pe_hbm, out_hbm, idx_2d, bufs, *sems):
        gsems, ssems = sems[:NBUF], sems[NBUF:]
        wid = lax.axis_index("s") * NUM_CORES + lax.axis_index("c")
        base = wid * b_per_w
        pltpu.sync_copy(
            x_hbm.at[pl.ds(wid * xrows_per_w, xrows_per_w), :], idx_2d)

        def gather_start(c, b):
            pltpu.async_copy(
                pe_hbm.at[idx_2d.at[c]], bufs.at[b], gsems[b])

        def gather_wait(b):
            pltpu.make_async_copy(
                pe_hbm.at[pl.ds(0, XC)], bufs.at[b], gsems[b]).wait()

        def write_start(c, b):
            pltpu.async_copy(
                bufs.at[b], out_hbm.at[pl.ds(base + c * XC, XC)],
                ssems[b])

        def write_wait(b):
            pltpu.make_async_copy(
                bufs.at[b], out_hbm.at[pl.ds(0, XC)], ssems[b]).wait()

        for b in range(NBUF):
            gather_start(b, b)

        def outer(g, carry):
            for b in range(NBUF):
                gather_wait(b)
                write_start(g + b, b)
            for b in range(NBUF):
                write_wait(b)
                gather_start(g + b + NBUF, b)
            return carry

        lax.fori_loop(0, nchunk // NBUF - 1,
                      lambda i, c: outer(i * NBUF, c), 0)
        last = nchunk - NBUF
        for b in range(NBUF):
            gather_wait(b)
            write_start(last + b, b)
        for b in range(NBUF):
            write_wait(b)

    return k


def kernel(x, pe):
    return _make_gather(x.shape[0] * x.shape[1], x.shape[1], pe.shape[1])(
        x, pe)

# --- scband reference (transcript-rebuilt; emitter-appended) ---
"""Pipeline reference for scband-positional-encoding-12025908429240 (READ-ONLY COPY).

The authoritative reference and input builder live on the scoring server;
editing this copy changes nothing except your own understanding.
"""

import jax, jax.numpy as jnp
import numpy as np
import math

D_MODEL = 1024
MAX_LEN = 8192
SEQ_LEN = 8192
BATCH = 4


def _build_pe(max_len, d_model):
    position = jnp.arange(max_len, dtype=jnp.float32)[:, None]
    div_term = jnp.exp(jnp.arange(0, d_model, 2, dtype=jnp.float32) * (-math.log(10000.0) / d_model))
    pe = jnp.zeros((max_len, d_model), dtype=jnp.float32)
    pe = pe.at[:, 0::2].set(jnp.sin(position * div_term))
    pe = pe.at[:, 1::2].set(jnp.cos(position * div_term))
    return pe


def setup_inputs(seed: int = 0) -> dict:
    key = jax.random.key(seed)
    x = jax.random.randint(key, (SEQ_LEN, BATCH), 0, MAX_LEN, dtype=jnp.int32)
    pe = _build_pe(MAX_LEN, D_MODEL)
    return {"x": x, "pe": pe}


def reference(x, pe):
    # PositionalEncoding.forward: self.pe[x.flatten()] -> gather rows of pe
    idx = x.reshape(-1)
    return jnp.take(pe, idx, axis=0)

if __name__ == "__main__":
    import jax
    _d = setup_inputs()
    print(jax.jit(kernel)(*tuple(_d.values())))

</pallas_src>

<mosaic_0001>
#map = affine_map<(d0, d1) -> (0, 0)>
module attributes {stable_mosaic.version = 14 : i64} {
  func.func @k(%arg0: i32, %arg1: i32, %arg2: memref<8192x4xi32, #tpu.memory_space<hbm>>, %arg3: memref<8192x1024xf32, #tpu.memory_space<hbm>>, %arg4: memref<32768x1024xf32, #tpu.memory_space<hbm>>, %arg5: memref<256x4xi32, #tpu.memory_space<vmem>>, %arg6: memref<8x4x1024xf32, #tpu.memory_space<vmem>>, %arg7: memref<!tpu.dma_semaphore, #tpu.memory_space<semaphore_mem>>, %arg8: memref<!tpu.dma_semaphore, #tpu.memory_space<semaphore_mem>>, %arg9: memref<!tpu.dma_semaphore, #tpu.memory_space<semaphore_mem>>, %arg10: memref<!tpu.dma_semaphore, #tpu.memory_space<semaphore_mem>>, %arg11: memref<!tpu.dma_semaphore, #tpu.memory_space<semaphore_mem>>, %arg12: memref<!tpu.dma_semaphore, #tpu.memory_space<semaphore_mem>>, %arg13: memref<!tpu.dma_semaphore, #tpu.memory_space<semaphore_mem>>, %arg14: memref<!tpu.dma_semaphore, #tpu.memory_space<semaphore_mem>>, %arg15: memref<!tpu.dma_semaphore, #tpu.memory_space<semaphore_mem>>, %arg16: memref<!tpu.dma_semaphore, #tpu.memory_space<semaphore_mem>>, %arg17: memref<!tpu.dma_semaphore, #tpu.memory_space<semaphore_mem>>, %arg18: memref<!tpu.dma_semaphore, #tpu.memory_space<semaphore_mem>>, %arg19: memref<!tpu.dma_semaphore, #tpu.memory_space<semaphore_mem>>, %arg20: memref<!tpu.dma_semaphore, #tpu.memory_space<semaphore_mem>>, %arg21: memref<!tpu.dma_semaphore, #tpu.memory_space<semaphore_mem>>, %arg22: memref<!tpu.dma_semaphore, #tpu.memory_space<semaphore_mem>>) attributes {dimension_semantics = [#tpu.dimension_semantics<core_parallel>, #tpu.dimension_semantics<subcore_parallel>], iteration_bounds = array<i64: 2, 16>, scalar_prefetch = 0 : i64, scratch_operands = 18 : i64, tpu.core_type = #tpu.core_type<sc_vector_subcore>, window_params = [{transform_indices = #map}, {transform_indices = #map}, {transform_indices = #map}]} {
    %mul3A = arith.constant 2 : i32
    %mul3A_0 = arith.muli %arg1, %mul3A : i32
    %add3A = arith.addi %mul3A_0, %arg0 : i32
    %mul3A_1 = arith.constant 1024 : i32
    %mul3A_2 = arith.muli %add3A, %mul3A_1 : i32
    %mul3A_3 = arith.constant 256 : i32
    %mul3A_4 = arith.muli %add3A, %mul3A_3 : i32
    "tpu.region"() ({
      %run_scoped3A = tpu.sem_alloc : memref<!tpu.dma_semaphore, #tpu.memory_space<semaphore_mem>>
      %dma_start3A_464 = arith.constant 0 : i32
      %dma_start3A_465 = tpu.memref_slice %arg2[%mul3A_4, %dma_start3A_464] : memref<8192x4xi32, #tpu.memory_space<hbm>> -> memref<256x4xi32, #tpu.memory_space<hbm>>
      %dma_start3A_466 = arith.constant 0 : i32
      %dma_start3A_467 = tpu.memref_slice %arg2[%mul3A_4, %dma_start3A_466] : memref<8192x4xi32, #tpu.memory_space<hbm>> -> memref<256x4xi32, #tpu.memory_space<hbm>>
      tpu.enqueue_dma source(%dma_start3A_467 : memref<256x4xi32, #tpu.memory_space<hbm>>) target(%arg5 : memref<256x4xi32, #tpu.memory_space<vmem>>) target_semaphore(%run_scoped3A : memref<!tpu.dma_semaphore, #tpu.memory_space<semaphore_mem>>)
      %dma_wait3A_468 = arith.constant 0 : i32
      %dma_wait3A_469 = tpu.memref_slice %arg2[%mul3A_4, %dma_wait3A_468] : memref<8192x4xi32, #tpu.memory_space<hbm>> -> memref<256x4xi32, #tpu.memory_space<hbm>>
      %dma_wait3A_470 = arith.constant 0 : i32
      %dma_wait3A_471 = tpu.memref_slice %arg2[%mul3A_4, %dma_wait3A_470] : memref<8192x4xi32, #tpu.memory_space<hbm>> -> memref<256x4xi32, #tpu.memory_space<hbm>>
      tpu.wait_dma2 semaphore(%run_scoped3A : memref<!tpu.dma_semaphore, #tpu.memory_space<semaphore_mem>>) src(%dma_wait3A_471 : memref<256x4xi32, #tpu.memory_space<hbm>>) dst(%arg5 : memref<256x4xi32, #tpu.memory_space<vmem>>)
      tpu.yield
    }) : () -> ()
    %dma_start3A = arith.constant 0 : i32
    %dma_start3A_5 = arith.constant 0 : i32
    %dma_start3A_6 = arith.constant 0 : i32
    %dma_start3A_7 = arith.constant 0 : i32
    %dma_start3A_8 = tpu.memref_slice %arg6[%dma_start3A_5, %dma_start3A_6, %dma_start3A_7] : memref<8x4x1024xf32, #tpu.memory_space<vmem>> -> memref<1x4x1024xf32, #tpu.memory_space<vmem>>
    %dma_start3A_9 = tpu.memref_squeeze %dma_start3A_8 : memref<1x4x1024xf32, #tpu.memory_space<vmem>> -> memref<4x1024xf32, #tpu.memory_space<vmem>>
    %dma_start3A_10 = arith.constant 0 : i32
    %dma_start3A_11 = tpu.memref_slice %arg5[%dma_start3A, %dma_start3A_10] : memref<256x4xi32, #tpu.memory_space<vmem>> -> memref<1x4xi32, #tpu.memory_space<vmem>>
    %dma_start3A_12 = tpu.memref_squeeze %dma_start3A_11 : memref<1x4xi32, #tpu.memory_space<vmem>> -> memref<4xi32, #tpu.memory_space<vmem>>
    %dma_start3A_13 = arith.constant 0 : i32
    %dma_start3A_14 = arith.constant 0 : i32
    %dma_start3A_15 = tpu.memref_slice %arg3[%dma_start3A_13, %dma_start3A_14] : memref<8192x1024xf32, #tpu.memory_space<hbm>> -> memref<8192x1024xf32, #tpu.memory_space<hbm>>
    tpu.enqueue_indirect_dma source(%dma_start3A_15 : memref<8192x1024xf32, #tpu.memory_space<hbm>>) target(%dma_start3A_9 : memref<4x1024xf32, #tpu.memory_space<vmem>>) offsets(%dma_start3A_12 : memref<4xi32, #tpu.memory_space<vmem>>) semaphore(%arg7 : memref<!tpu.dma_semaphore, #tpu.memory_space<semaphore_mem>>)
    %dma_start3A_16 = arith.constant 1 : i32
    %dma_start3A_17 = arith.constant 1 : i32
    %dma_start3A_18 = arith.constant 0 : i32
    %dma_start3A_19 = arith.constant 0 : i32
    %dma_start3A_20 = tpu.memref_slice %arg6[%dma_start3A_17, %dma_start3A_18, %dma_start3A_19] : memref<8x4x1024xf32, #tpu.memory_space<vmem>> -> memref<1x4x1024xf32, #tpu.memory_space<vmem>>
    %dma_start3A_21 = tpu.memref_squeeze %dma_start3A_20 : memref<1x4x1024xf32, #tpu.memory_space<vmem>> -> memref<4x1024xf32, #tpu.memory_space<vmem>>
    %dma_start3A_22 = arith.constant 0 : i32
    %dma_start3A_23 = tpu.memref_slice %arg5[%dma_start3A_16, %dma_start3A_22] : memref<256x4xi32, #tpu.memory_space<vmem>> -> memref<1x4xi32, #tpu.memory_space<vmem>>
    %dma_start3A_24 = tpu.memref_squeeze %dma_start3A_23 : memref<1x4xi32, #tpu.memory_space<vmem>> -> memref<4xi32, #tpu.memory_space<vmem>>
    %dma_start3A_25 = arith.constant 0 : i32
    %dma_start3A_26 = arith.constant 0 : i32
    %dma_start3A_27 = tpu.memref_slice %arg3[%dma_start3A_25, %dma_start3A_26] : memref<8192x1024xf32, #tpu.memory_space<hbm>> -> memref<8192x1024xf32, #tpu.memory_space<hbm>>
    tpu.enqueue_indirect_dma source(%dma_start3A_27 : memref<8192x1024xf32, #tpu.memory_space<hbm>>) target(%dma_start3A_21 : memref<4x1024xf32, #tpu.memory_space<vmem>>) offsets(%dma_start3A_24 : memref<4xi32, #tpu.memory_space<vmem>>) semaphore(%arg8 : memref<!tpu.dma_semaphore, #tpu.memory_space<semaphore_mem>>)
    %dma_start3A_28 = arith.constant 2 : i32
    %dma_start3A_29 = arith.constant 2 : i32
    %dma_start3A_30 = arith.constant 0 : i32
    %dma_start3A_31 = arith.constant 0 : i32
    %dma_start3A_32 = tpu.memref_slice %arg6[%dma_start3A_29, %dma_start3A_30, %dma_start3A_31] : memref<8x4x1024xf32, #tpu.memory_space<vmem>> -> memref<1x4x1024xf32, #tpu.memory_space<vmem>>
    %dma_start3A_33 = tpu.memref_squeeze %dma_start3A_32 : memref<1x4x1024xf32, #tpu.memory_space<vmem>> -> memref<4x1024xf32, #tpu.memory_space<vmem>>
    %dma_start3A_34 = arith.constant 0 : i32
    %dma_start3A_35 = tpu.memref_slice %arg5[%dma_start3A_28, %dma_start3A_34] : memref<256x4xi32, #tpu.memory_space<vmem>> -> memref<1x4xi32, #tpu.memory_space<vmem>>
    %dma_start3A_36 = tpu.memref_squeeze %dma_start3A_35 : memref<1x4xi32, #tpu.memory_space<vmem>> -> memref<4xi32, #tpu.memory_space<vmem>>
    %dma_start3A_37 = arith.constant 0 : i32
    %dma_start3A_38 = arith.constant 0 : i32
    %dma_start3A_39 = tpu.memref_slice %arg3[%dma_start3A_37, %dma_start3A_38] : memref<8192x1024xf32, #tpu.memory_space<hbm>> -> memref<8192x1024xf32, #tpu.memory_space<hbm>>
    tpu.enqueue_indirect_dma source(%dma_start3A_39 : memref<8192x1024xf32, #tpu.memory_space<hbm>>) target(%dma_start3A_33 : memref<4x1024xf32, #tpu.memory_space<vmem>>) offsets(%dma_start3A_36 : memref<4xi32, #tpu.memory_space<vmem>>) semaphore(%arg9 : memref<!tpu.dma_semaphore, #tpu.memory_space<semaphore_mem>>)
    %dma_start3A_40 = arith.constant 3 : i32
    %dma_start3A_41 = arith.constant 3 : i32
    %dma_start3A_42 = arith.constant 0 : i32
    %dma_start3A_43 = arith.constant 0 : i32
    %dma_start3A_44 = tpu.memref_slice %arg6[%dma_start3A_41, %dma_start3A_42, %dma_start3A_43] : memref<8x4x1024xf32, #tpu.memory_space<vmem>> -> memref<1x4x1024xf32, #tpu.memory_space<vmem>>
    %dma_start3A_45 = tpu.memref_squeeze %dma_start3A_44 : memref<1x4x1024xf32, #tpu.memory_space<vmem>> -> memref<4x1024xf32, #tpu.memory_space<vmem>>
    %dma_start3A_46 = arith.constant 0 : i32
    %dma_start3A_47 = tpu.memref_slice %arg5[%dma_start3A_40, %dma_start3A_46] : memref<256x4xi32, #tpu.memory_space<vmem>> -> memref<1x4xi32, #tpu.memory_space<vmem>>
    %dma_start3A_48 = tpu.memref_squeeze %dma_start3A_47 : memref<1x4xi32, #tpu.memory_space<vmem>> -> memref<4xi32, #tpu.memory_space<vmem>>
    %dma_start3A_49 = arith.constant 0 : i32
    %dma_start3A_50 = arith.constant 0 : i32
    %dma_start3A_51 = tpu.memref_slice %arg3[%dma_start3A_49, %dma_start3A_50] : memref<8192x1024xf32, #tpu.memory_space<hbm>> -> memref<8192x1024xf32, #tpu.memory_space<hbm>>
    tpu.enqueue_indirect_dma source(%dma_start3A_51 : memref<8192x1024xf32, #tpu.memory_space<hbm>>) target(%dma_start3A_45 : memref<4x1024xf32, #tpu.memory_space<vmem>>) offsets(%dma_start3A_48 : memref<4xi32, #tpu.memory_space<vmem>>) semaphore(%arg10 : memref<!tpu.dma_semaphore, #tpu.memory_space<semaphore_mem>>)
    %dma_start3A_52 = arith.constant 4 : i32
    %dma_start3A_53 = arith.constant 4 : i32
    %dma_start3A_54 = arith.constant 0 : i32
    %dma_start3A_55 = arith.constant 0 : i32
    %dma_start3A_56 = tpu.memref_slice %arg6[%dma_start3A_53, %dma_start3A_54, %dma_start3A_55] : memref<8x4x1024xf32, #tpu.memory_space<vmem>> -> memref<1x4x1024xf32, #tpu.memory_space<vmem>>
    %dma_start3A_57 = tpu.memref_squeeze %dma_start3A_56 : memref<1x4x1024xf32, #tpu.memory_space<vmem>> -> memref<4x1024xf32, #tpu.memory_space<vmem>>
    %dma_start3A_58 = arith.constant 0 : i32
    %dma_start3A_59 = tpu.memref_slice %arg5[%dma_start3A_52, %dma_start3A_58] : memref<256x4xi32, #tpu.memory_space<vmem>> -> memref<1x4xi32, #tpu.memory_space<vmem>>
    %dma_start3A_60 = tpu.memref_squeeze %dma_start3A_59 : memref<1x4xi32, #tpu.memory_space<vmem>> -> memref<4xi32, #tpu.memory_space<vmem>>
    %dma_start3A_61 = arith.constant 0 : i32
    %dma_start3A_62 = arith.constant 0 : i32
    %dma_start3A_63 = tpu.memref_slice %arg3[%dma_start3A_61, %dma_start3A_62] : memref<8192x1024xf32, #tpu.memory_space<hbm>> -> memref<8192x1024xf32, #tpu.memory_space<hbm>>
    tpu.enqueue_indirect_dma source(%dma_start3A_63 : memref<8192x1024xf32, #tpu.memory_space<hbm>>) target(%dma_start3A_57 : memref<4x1024xf32, #tpu.memory_space<vmem>>) offsets(%dma_start3A_60 : memref<4xi32, #tpu.memory_space<vmem>>) semaphore(%arg11 : memref<!tpu.dma_semaphore, #tpu.memory_space<semaphore_mem>>)
    %dma_start3A_64 = arith.constant 5 : i32
    %dma_start3A_65 = arith.constant 5 : i32
    %dma_start3A_66 = arith.constant 0 : i32
    %dma_start3A_67 = arith.constant 0 : i32
    %dma_start3A_68 = tpu.memref_slice %arg6[%dma_start3A_65, %dma_start3A_66, %dma_start3A_67] : memref<8x4x1024xf32, #tpu.memory_space<vmem>> -> memref<1x4x1024xf32, #tpu.memory_space<vmem>>
    %dma_start3A_69 = tpu.memref_squeeze %dma_start3A_68 : memref<1x4x1024xf32, #tpu.memory_space<vmem>> -> memref<4x1024xf32, #tpu.memory_space<vmem>>
    %dma_start3A_70 = arith.constant 0 : i32
    %dma_start3A_71 = tpu.memref_slice %arg5[%dma_start3A_64, %dma_start3A_70] : memref<256x4xi32, #tpu.memory_space<vmem>> -> memref<1x4xi32, #tpu.memory_space<vmem>>
    %dma_start3A_72 = tpu.memref_squeeze %dma_start3A_71 : memref<1x4xi32, #tpu.memory_space<vmem>> -> memref<4xi32, #tpu.memory_space<vmem>>
    %dma_start3A_73 = arith.constant 0 : i32
    %dma_start3A_74 = arith.constant 0 : i32
    %dma_start3A_75 = tpu.memref_slice %arg3[%dma_start3A_73, %dma_start3A_74] : memref<8192x1024xf32, #tpu.memory_space<hbm>> -> memref<8192x1024xf32, #tpu.memory_space<hbm>>
    tpu.enqueue_indirect_dma source(%dma_start3A_75 : memref<8192x1024xf32, #tpu.memory_space<hbm>>) target(%dma_start3A_69 : memref<4x1024xf32, #tpu.memory_space<vmem>>) offsets(%dma_start3A_72 : memref<4xi32, #tpu.memory_space<vmem>>) semaphore(%arg12 : memref<!tpu.dma_semaphore, #tpu.memory_space<semaphore_mem>>)
    %dma_start3A_76 = arith.constant 6 : i32
    %dma_start3A_77 = arith.constant 6 : i32
    %dma_start3A_78 = arith.constant 0 : i32
    %dma_start3A_79 = arith.constant 0 : i32
    %dma_start3A_80 = tpu.memref_slice %arg6[%dma_start3A_77, %dma_start3A_78, %dma_start3A_79] : memref<8x4x1024xf32, #tpu.memory_space<vmem>> -> memref<1x4x1024xf32, #tpu.memory_space<vmem>>
    %dma_start3A_81 = tpu.memref_squeeze %dma_start3A_80 : memref<1x4x1024xf32, #tpu.memory_space<vmem>> -> memref<4x1024xf32, #tpu.memory_space<vmem>>
    %dma_start3A_82 = arith.constant 0 : i32
    %dma_start3A_83 = tpu.memref_slice %arg5[%dma_start3A_76, %dma_start3A_82] : memref<256x4xi32, #tpu.memory_space<vmem>> -> memref<1x4xi32, #tpu.memory_space<vmem>>
    %dma_start3A_84 = tpu.memref_squeeze %dma_start3A_83 : memref<1x4xi32, #tpu.memory_space<vmem>> -> memref<4xi32, #tpu.memory_space<vmem>>
    %dma_start3A_85 = arith.constant 0 : i32
    %dma_start3A_86 = arith.constant 0 : i32
    %dma_start3A_87 = tpu.memref_slice %arg3[%dma_start3A_85, %dma_start3A_86] : memref<8192x1024xf32, #tpu.memory_space<hbm>> -> memref<8192x1024xf32, #tpu.memory_space<hbm>>
    tpu.enqueue_indirect_dma source(%dma_start3A_87 : memref<8192x1024xf32, #tpu.memory_space<hbm>>) target(%dma_start3A_81 : memref<4x1024xf32, #tpu.memory_space<vmem>>) offsets(%dma_start3A_84 : memref<4xi32, #tpu.memory_space<vmem>>) semaphore(%arg13 : memref<!tpu.dma_semaphore, #tpu.memory_space<semaphore_mem>>)
    %dma_start3A_88 = arith.constant 7 : i32
    %dma_start3A_89 = arith.constant 7 : i32
    %dma_start3A_90 = arith.constant 0 : i32
    %dma_start3A_91 = arith.constant 0 : i32
    %dma_start3A_92 = tpu.memref_slice %arg6[%dma_start3A_89, %dma_start3A_90, %dma_start3A_91] : memref<8x4x1024xf32, #tpu.memory_space<vmem>> -> memref<1x4x1024xf32, #tpu.memory_space<vmem>>
    %dma_start3A_93 = tpu.memref_squeeze %dma_start3A_92 : memref<1x4x1024xf32, #tpu.memory_space<vmem>> -> memref<4x1024xf32, #tpu.memory_space<vmem>>
    %dma_start3A_94 = arith.constant 0 : i32
    %dma_start3A_95 = tpu.memref_slice %arg5[%dma_start3A_88, %dma_start3A_94] : memref<256x4xi32, #tpu.memory_space<vmem>> -> memref<1x4xi32, #tpu.memory_space<vmem>>
    %dma_start3A_96 = tpu.memref_squeeze %dma_start3A_95 : memref<1x4xi32, #tpu.memory_space<vmem>> -> memref<4xi32, #tpu.memory_space<vmem>>
    %dma_start3A_97 = arith.constant 0 : i32
    %dma_start3A_98 = arith.constant 0 : i32
    %dma_start3A_99 = tpu.memref_slice %arg3[%dma_start3A_97, %dma_start3A_98] : memref<8192x1024xf32, #tpu.memory_space<hbm>> -> memref<8192x1024xf32, #tpu.memory_space<hbm>>
    tpu.enqueue_indirect_dma source(%dma_start3A_99 : memref<8192x1024xf32, #tpu.memory_space<hbm>>) target(%dma_start3A_93 : memref<4x1024xf32, #tpu.memory_space<vmem>>) offsets(%dma_start3A_96 : memref<4xi32, #tpu.memory_space<vmem>>) semaphore(%arg14 : memref<!tpu.dma_semaphore, #tpu.memory_space<semaphore_mem>>)
    %scan3A = arith.constant 0 : i32
    %scan3A_100 = arith.constant 0 : i32
    %scan3A_101 = arith.constant 31 : i32
    %scan3A_102 = arith.addi %scan3A_100, %scan3A_101 : i32
    %scan3A_103 = arith.constant 1 : i32
    scf.for %scan3A_464 = %scan3A_100 to %scan3A_102 step %scan3A_103  : i32 {
      %mul3A_465 = arith.constant 8 : i32
      %mul3A_466 = arith.muli %scan3A_464, %mul3A_465 : i32
      %dma_wait3A_467 = arith.constant 0 : i32
      %dma_wait3A_468 = arith.constant 0 : i32
      %dma_wait3A_469 = arith.constant 0 : i32
      %dma_wait3A_470 = tpu.memref_slice %arg6[%dma_wait3A_467, %dma_wait3A_468, %dma_wait3A_469] : memref<8x4x1024xf32, #tpu.memory_space<vmem>> -> memref<1x4x1024xf32, #tpu.memory_space<vmem>>
      %dma_wait3A_471 = tpu.memref_squeeze %dma_wait3A_470 : memref<1x4x1024xf32, #tpu.memory_space<vmem>> -> memref<4x1024xf32, #tpu.memory_space<vmem>>
      %dma_wait3A_472 = arith.constant 0 : i32
      %dma_wait3A_473 = arith.constant 0 : i32
      %dma_wait3A_474 = tpu.memref_slice %arg3[%dma_wait3A_472, %dma_wait3A_473] : memref<8192x1024xf32, #tpu.memory_space<hbm>> -> memref<4x1024xf32, #tpu.memory_space<hbm>>
      %dma_wait3A_475 = arith.constant 0 : i32
      %dma_wait3A_476 = arith.constant 0 : i32
      %dma_wait3A_477 = tpu.memref_slice %arg6[%dma_wait3A_467, %dma_wait3A_475, %dma_wait3A_476] : memref<8x4x1024xf32, #tpu.memory_space<vmem>> -> memref<1x4x1024xf32, #tpu.memory_space<vmem>>
      %dma_wait3A_478 = tpu.memref_squeeze %dma_wait3A_477 : memref<1x4x1024xf32, #tpu.memory_space<vmem>> -> memref<4x1024xf32, #tpu.memory_space<vmem>>
      %dma_wait3A_479 = arith.constant 0 : i32
      %dma_wait3A_480 = arith.constant 0 : i32
      %dma_wait3A_481 = tpu.memref_slice %arg3[%dma_wait3A_479, %dma_wait3A_480] : memref<8192x1024xf32, #tpu.memory_space<hbm>> -> memref<4x1024xf32, #tpu.memory_space<hbm>>
      tpu.wait_dma2 semaphore(%arg7 : memref<!tpu.dma_semaphore, #tpu.memory_space<semaphore_mem>>) src(%dma_wait3A_481 : memref<4x1024xf32, #tpu.memory_space<hbm>>) dst(%dma_wait3A_478 : memref<4x1024xf32, #tpu.memory_space<vmem>>)
      %add3A_482 = arith.constant 0 : i32
      %add3A_483 = arith.addi %mul3A_466, %add3A_482 : i32
      %mul3A_484 = arith.constant 4 : i32
      %mul3A_485 = arith.muli %add3A_483, %mul3A_484 : i32
      %add3A_486 = arith.addi %mul3A_2, %mul3A_485 : i32
      %dma_start3A_487 = arith.constant 0 : i32
      %dma_start3A_488 = arith.constant 0 : i32
      %dma_start3A_489 = arith.constant 0 : i32
      %dma_start3A_490 = tpu.memref_slice %arg6[%dma_start3A_487, %dma_start3A_488, %dma_start3A_489] : memref<8x4x1024xf32, #tpu.memory_space<vmem>> -> memref<1x4x1024xf32, #tpu.memory_space<vmem>>
      %dma_start3A_491 = tpu.memref_squeeze %dma_start3A_490 : memref<1x4x1024xf32, #tpu.memory_space<vmem>> -> memref<4x1024xf32, #tpu.memory_space<vmem>>
      %dma_start3A_492 = arith.constant 0 : i32
      %dma_start3A_493 = tpu.memref_slice %arg4[%add3A_486, %dma_start3A_492] : memref<32768x1024xf32, #tpu.memory_space<hbm>> -> memref<4x1024xf32, #tpu.memory_space<hbm>>
      %dma_start3A_494 = arith.constant 0 : i32
      %dma_start3A_495 = tpu.memref_slice %arg4[%add3A_486, %dma_start3A_494] : memref<32768x1024xf32, #tpu.memory_space<hbm>> -> memref<4x1024xf32, #tpu.memory_space<hbm>>
      %dma_start3A_496 = arith.constant 0 : i32
      %dma_start3A_497 = arith.constant 0 : i32
      %dma_start3A_498 = tpu.memref_slice %arg6[%dma_start3A_487, %dma_start3A_496, %dma_start3A_497] : memref<8x4x1024xf32, #tpu.memory_space<vmem>> -> memref<1x4x1024xf32, #tpu.memory_space<vmem>>
      %dma_start3A_499 = tpu.memref_squeeze %dma_start3A_498 : memref<1x4x1024xf32, #tpu.memory_space<vmem>> -> memref<4x1024xf32, #tpu.memory_space<vmem>>
      tpu.enqueue_dma source(%dma_start3A_499 : memref<4x1024xf32, #tpu.memory_space<vmem>>) target(%dma_start3A_495 : memref<4x1024xf32, #tpu.memory_space<hbm>>) target_semaphore(%arg15 : memref<!tpu.dma_semaphore, #tpu.memory_space<semaphore_mem>>)
      %dma_wait3A_500 = arith.constant 1 : i32
      %dma_wait3A_501 = arith.constant 0 : i32
      %dma_wait3A_502 = arith.constant 0 : i32
      %dma_wait3A_503 = tpu.memref_slice %arg6[%dma_wait3A_500, %dma_wait3A_501, %dma_wait3A_502] : memref<8x4x1024xf32, #tpu.memory_space<vmem>> -> memref<1x4x1024xf32, #tpu.memory_space<vmem>>
      %dma_wait3A_504 = tpu.memref_squeeze %dma_wait3A_503 : memref<1x4x1024xf32, #tpu.memory_space<vmem>> -> memref<4x1024xf32, #tpu.memory_space<vmem>>
      %dma_wait3A_505 = arith.constant 0 : i32
      %dma_wait3A_506 = arith.constant 0 : i32
      %dma_wait3A_507 = tpu.memref_slice %arg3[%dma_wait3A_505, %dma_wait3A_506] : memref<8192x1024xf32, #tpu.memory_space<hbm>> -> memref<4x1024xf32, #tpu.memory_space<hbm>>
      %dma_wait3A_508 = arith.constant 0 : i32
      %dma_wait3A_509 = arith.constant 0 : i32
      %dma_wait3A_510 = tpu.memref_slice %arg6[%dma_wait3A_500, %dma_wait3A_508, %dma_wait3A_509] : memref<8x4x1024xf32, #tpu.memory_space<vmem>> -> memref<1x4x1024xf32, #tpu.memory_space<vmem>>
      %dma_wait3A_511 = tpu.memref_squeeze %dma_wait3A_510 : memref<1x4x1024xf32, #tpu.memory_space<vmem>> -> memref<4x1024xf32, #tpu.memory_space<vmem>>
      %dma_wait3A_512 = arith.constant 0 : i32
      %dma_wait3A_513 = arith.constant 0 : i32
      %dma_wait3A_514 = tpu.memref_slice %arg3[%dma_wait3A_512, %dma_wait3A_513] : memref<8192x1024xf32, #tpu.memory_space<hbm>> -> memref<4x1024xf32, #tpu.memory_space<hbm>>
      tpu.wait_dma2 semaphore(%arg8 : memref<!tpu.dma_semaphore, #tpu.memory_space<semaphore_mem>>) src(%dma_wait3A_514 : memref<4x1024xf32, #tpu.memory_space<hbm>>) dst(%dma_wait3A_511 : memref<4x1024xf32, #tpu.memory_space<vmem>>)
      %add3A_515 = arith.constant 1 : i32
      %add3A_516 = arith.addi %mul3A_466, %add3A_515 : i32
      %mul3A_517 = arith.constant 4 : i32
      %mul3A_518 = arith.muli %add3A_516, %mul3A_517 : i32
      %add3A_519 = arith.addi %mul3A_2, %mul3A_518 : i32
      %dma_start3A_520 = arith.constant 1 : i32
      %dma_start3A_521 = arith.constant 0 : i32
      %dma_start3A_522 = arith.constant 0 : i32
      %dma_start3A_523 = tpu.memref_slice %arg6[%dma_start3A_520, %dma_start3A_521, %dma_start3A_522] : memref<8x4x1024xf32, #tpu.memory_space<vmem>> -> memref<1x4x1024xf32, #tpu.memory_space<vmem>>
      %dma_start3A_524 = tpu.memref_squeeze %dma_start3A_523 : memref<1x4x1024xf32, #tpu.memory_space<vmem>> -> memref<4x1024xf32, #tpu.memory_space<vmem>>
      %dma_start3A_525 = arith.constant 0 : i32
      %dma_start3A_526 = tpu.memref_slice %arg4[%add3A_519, %dma_start3A_525] : memref<32768x1024xf32, #tpu.memory_space<hbm>> -> memref<4x1024xf32, #tpu.memory_space<hbm>>
      %dma_start3A_527 = arith.constant 0 : i32
      %dma_start3A_528 = tpu.memref_slice %arg4[%add3A_519, %dma_start3A_527] : memref<32768x1024xf32, #tpu.memory_space<hbm>> -> memref<4x1024xf32, #tpu.memory_space<hbm>>
      %dma_start3A_529 = arith.constant 0 : i32
      %dma_start3A_530 = arith.constant 0 : i32
      %dma_start3A_531 = tpu.memref_slice %arg6[%dma_start3A_520, %dma_start3A_529, %dma_start3A_530] : memref<8x4x1024xf32, #tpu.memory_space<vmem>> -> memref<1x4x1024xf32, #tpu.memory_space<vmem>>
      %dma_start3A_532 = tpu.memref_squeeze %dma_start3A_531 : memref<1x4x1024xf32, #tpu.memory_space<vmem>> -> memref<4x1024xf32, #tpu.memory_space<vmem>>
      tpu.enqueue_dma source(%dma_start3A_532 : memref<4x1024xf32, #tpu.memory_space<vmem>>) target(%dma_start3A_528 : memref<4x1024xf32, #tpu.memory_space<hbm>>) target_semaphore(%arg16 : memref<!tpu.dma_semaphore, #tpu.memory_space<semaphore_mem>>)
      %dma_wait3A_533 = arith.constant 2 : i32
      %dma_wait3A_534 = arith.constant 0 : i32
      %dma_wait3A_535 = arith.constant 0 : i32
      %dma_wait3A_536 = tpu.memref_slice %arg6[%dma_wait3A_533, %dma_wait3A_534, %dma_wait3A_535] : memref<8x4x1024xf32, #tpu.memory_space<vmem>> -> memref<1x4x1024xf32, #tpu.memory_space<vmem>>
      %dma_wait3A_537 = tpu.memref_squeeze %dma_wait3A_536 : memref<1x4x1024xf32, #tpu.memory_space<vmem>> -> memref<4x1024xf32, #tpu.memory_space<vmem>>
      %dma_wait3A_538 = arith.constant 0 : i32
      %dma_wait3A_539 = arith.constant 0 : i32
      %dma_wait3A_540 = tpu.memref_slice %arg3[%dma_wait3A_538, %dma_wait3A_539] : memref<8192x1024xf32, #tpu.memory_space<hbm>> -> memref<4x1024xf32, #tpu.memory_space<hbm>>
      %dma_wait3A_541 = arith.constant 0 : i32
      %dma_wait3A_542 = arith.constant 0 : i32
      %dma_wait3A_543 = tpu.memref_slice %arg6[%dma_wait3A_533, %dma_wait3A_541, %dma_wait3A_542] : memref<8x4x1024xf32, #tpu.memory_space<vmem>> -> memref<1x4x1024xf32, #tpu.memory_space<vmem>>
      %dma_wait3A_544 = tpu.memref_squeeze %dma_wait3A_543 : memref<1x4x1024xf32, #tpu.memory_space<vmem>> -> memref<4x1024xf32, #tpu.memory_space<vmem>>
      %dma_wait3A_545 = arith.constant 0 : i32
      %dma_wait3A_546 = arith.constant 0 : i32
      %dma_wait3A_547 = tpu.memref_slice %arg3[%dma_wait3A_545, %dma_wait3A_546] : memref<8192x1024xf32, #tpu.memory_space<hbm>> -> memref<4x1024xf32, #tpu.memory_space<hbm>>
      tpu.wait_dma2 semaphore(%arg9 : memref<!tpu.dma_semaphore, #tpu.memory_space<semaphore_mem>>) src(%dma_wait3A_547 : memref<4x1024xf32, #tpu.memory_space<hbm>>) dst(%dma_wait3A_544 : memref<4x1024xf32, #tpu.memory_space<vmem>>)
      %add3A_548 = arith.constant 2 : i32
      %add3A_549 = arith.addi %mul3A_466, %add3A_548 : i32
      %mul3A_550 = arith.constant 4 : i32
      %mul3A_551 = arith.muli %add3A_549, %mul3A_550 : i32
      %add3A_552 = arith.addi %mul3A_2, %mul3A_551 : i32
      %dma_start3A_553 = arith.constant 2 : i32
      %dma_start3A_554 = arith.constant 0 : i32
      %dma_start3A_555 = arith.constant 0 : i32
      %dma_start3A_556 = tpu.memref_slice %arg6[%dma_start3A_553, %dma_start3A_554, %dma_start3A_555] : memref<8x4x1024xf32, #tpu.memory_space<vmem>> -> memref<1x4x1024xf32, #tpu.memory_space<vmem>>
      %dma_start3A_557 = tpu.memref_squeeze %dma_start3A_556 : memref<1x4x1024xf32, #tpu.memory_space<vmem>> -> memref<4x1024xf32, #tpu.memory_space<vmem>>
      %dma_start3A_558 = arith.constant 0 : i32
      %dma_start3A_559 = tpu.memref_slice %arg4[%add3A_552, %dma_start3A_558] : memref<32768x1024xf32, #tpu.memory_space<hbm>> -> memref<4x1024xf32, #tpu.memory_space<hbm>>
      %dma_start3A_560 = arith.constant 0 : i32
      %dma_start3A_561 = tpu.memref_slice %arg4[%add3A_552, %dma_start3A_560] : memref<32768x1024xf32, #tpu.memory_space<hbm>> -> memref<4x1024xf32, #tpu.memory_space<hbm>>
      %dma_start3A_562 = arith.constant 0 : i32
      %dma_start3A_563 = arith.constant 0 : i32
      %dma_start3A_564 = tpu.memref_slice %arg6[%dma_start3A_553, %dma_start3A_562, %dma_start3A_563] : memref<8x4x1024xf32, #tpu.memory_space<vmem>> -> memref<1x4x1024xf32, #tpu.memory_space<vmem>>
      %dma_start3A_565 = tpu.memref_squeeze %dma_start3A_564 : memref<1x4x1024xf32, #tpu.memory_space<vmem>> -> memref<4x1024xf32, #tpu.memory_space<vmem>>
      tpu.enqueue_dma source(%dma_start3A_565 : memref<4x1024xf32, #tpu.memory_space<vmem>>) target(%dma_start3A_561 : memref<4x1024xf32, #tpu.memory_space<hbm>>) target_semaphore(%arg17 : memref<!tpu.dma_semaphore, #tpu.memory_space<semaphore_mem>>)
      %dma_wait3A_566 = arith.constant 3 : i32
      %dma_wait3A_567 = arith.constant 0 : i32
      %dma_wait3A_568 = arith.constant 0 : i32
      %dma_wait3A_569 = tpu.memref_slice %arg6[%dma_wait3A_566, %dma_wait3A_567, %dma_wait3A_568] : memref<8x4x1024xf32, #tpu.memory_space<vmem>> -> memref<1x4x1024xf32, #tpu.memory_space<vmem>>
      %dma_wait3A_570 = tpu.memref_squeeze %dma_wait3A_569 : memref<1x4x1024xf32, #tpu.memory_space<vmem>> -> memref<4x1024xf32, #tpu.memory_space<vmem>>
      %dma_wait3A_571 = arith.constant 0 : i32
      %dma_wait3A_572 = arith.constant 0 : i32
      %dma_wait3A_573 = tpu.memref_slice %arg3[%dma_wait3A_571, %dma_wait3A_572] : memref<8192x1024xf32, #tpu.memory_space<hbm>> -> memref<4x1024xf32, #tpu.memory_space<hbm>>
      %dma_wait3A_574 = arith.constant 0 : i32
      %dma_wait3A_575 = arith.constant 0 : i32
      %dma_wait3A_576 = tpu.memref_slice %arg6[%dma_wait3A_566, %dma_wait3A_574, %dma_wait3A_575] : memref<8x4x1024xf32, #tpu.memory_space<vmem>> -> memref<1x4x1024xf32, #tpu.memory_space<vmem>>
      %dma_wait3A_577 = tpu.memref_squeeze %dma_wait3A_576 : memref<1x4x1024xf32, #tpu.memory_space<vmem>> -> memref<4x1024xf32, #tpu.memory_space<vmem>>
      %dma_wait3A_578 = arith.constant 0 : i32
      %dma_wait3A_579 = arith.constant 0 : i32
      %dma_wait3A_580 = tpu.memref_slice %arg3[%dma_wait3A_578, %dma_wait3A_579] : memref<8192x1024xf32, #tpu.memory_space<hbm>> -> memref<4x1024xf32, #tpu.memory_space<hbm>>
      tpu.wait_dma2 semaphore(%arg10 : memref<!tpu.dma_semaphore, #tpu.memory_space<semaphore_mem>>) src(%dma_wait3A_580 : memref<4x1024xf32, #tpu.memory_space<hbm>>) dst(%dma_wait3A_577 : memref<4x1024xf32, #tpu.memory_space<vmem>>)
      %add3A_581 = arith.constant 3 : i32
      %add3A_582 = arith.addi %mul3A_466, %add3A_581 : i32
      %mul3A_583 = arith.constant 4 : i32
      %mul3A_584 = arith.muli %add3A_582, %mul3A_583 : i32
      %add3A_585 = arith.addi %mul3A_2, %mul3A_584 : i32
      %dma_start3A_586 = arith.constant 3 : i32
      %dma_start3A_587 = arith.constant 0 : i32
      %dma_start3A_588 = arith.constant 0 : i32
      %dma_start3A_589 = tpu.memref_slice %arg6[%dma_start3A_586, %dma_start3A_587, %dma_start3A_588] : memref<8x4x1024xf32, #tpu.memory_space<vmem>> -> memref<1x4x1024xf32, #tpu.memory_space<vmem>>
      %dma_start3A_590 = tpu.memref_squeeze %dma_start3A_589 : memref<1x4x1024xf32, #tpu.memory_space<vmem>> -> memref<4x1024xf32, #tpu.memory_space<vmem>>
      %dma_start3A_591 = arith.constant 0 : i32
      %dma_start3A_592 = tpu.memref_slice %arg4[%add3A_585, %dma_start3A_591] : memref<32768x1024xf32, #tpu.memory_space<hbm>> -> memref<4x1024xf32, #tpu.memory_space<hbm>>
      %dma_start3A_593 = arith.constant 0 : i32
      %dma_start3A_594 = tpu.memref_slice %arg4[%add3A_585, %dma_start3A_593] : memref<32768x1024xf32, #tpu.memory_space<hbm>> -> memref<4x1024xf32, #tpu.memory_space<hbm>>
      %dma_start3A_595 = arith.constant 0 : i32
      %dma_start3A_596 = arith.constant 0 : i32
      %dma_start3A_597 = tpu.memref_slice %arg6[%dma_start3A_586, %dma_start3A_595, %dma_start3A_596] : memref<8x4x1024xf32, #tpu.memory_space<vmem>> -> memref<1x4x1024xf32, #tpu.memory_space<vmem>>
      %dma_start3A_598 = tpu.memref_squeeze %dma_start3A_597 : memref<1x4x1024xf32, #tpu.memory_space<vmem>> -> memref<4x1024xf32, #tpu.memory_space<vmem>>
      tpu.enqueue_dma source(%dma_start3A_598 : memref<4x1024xf32, #tpu.memory_space<vmem>>) target(%dma_start3A_594 : memref<4x1024xf32, #tpu.memory_space<hbm>>) target_semaphore(%arg18 : memref<!tpu.dma_semaphore, #tpu.memory_space<semaphore_mem>>)
      %dma_wait3A_599 = arith.constant 4 : i32
      %dma_wait3A_600 = arith.constant 0 : i32
      %dma_wait3A_601 = arith.constant 0 : i32
      %dma_wait3A_602 = tpu.memref_slice %arg6[%dma_wait3A_599, %dma_wait3A_600, %dma_wait3A_601] : memref<8x4x1024xf32, #tpu.memory_space<vmem>> -> memref<1x4x1024xf32, #tpu.memory_space<vmem>>
      %dma_wait3A_603 = tpu.memref_squeeze %dma_wait3A_602 : memref<1x4x1024xf32, #tpu.memory_space<vmem>> -> memref<4x1024xf32, #tpu.memory_space<vmem>>
      %dma_wait3A_604 = arith.constant 0 : i32
      %dma_wait3A_605 = arith.constant 0 : i32
      %dma_wait3A_606 = tpu.memref_slice %arg3[%dma_wait3A_604, %dma_wait3A_605] : memref<8192x1024xf32, #tpu.memory_space<hbm>> -> memref<4x1024xf32, #tpu.memory_space<hbm>>
      %dma_wait3A_607 = arith.constant 0 : i32
      %dma_wait3A_608 = arith.constant 0 : i32
      %dma_wait3A_609 = tpu.memref_slice %arg6[%dma_wait3A_599, %dma_wait3A_607, %dma_wait3A_608] : memref<8x4x1024xf32, #tpu.memory_space<vmem>> -> memref<1x4x1024xf32, #tpu.memory_space<vmem>>
      %dma_wait3A_610 = tpu.memref_squeeze %dma_wait3A_609 : memref<1x4x1024xf32, #tpu.memory_space<vmem>> -> memref<4x1024xf32, #tpu.memory_space<vmem>>
      %dma_wait3A_611 = arith.constant 0 : i32
      %dma_wait3A_612 = arith.constant 0 : i32
      %dma_wait3A_613 = tpu.memref_slice %arg3[%dma_wait3A_611, %dma_wait3A_612] : memref<8192x1024xf32, #tpu.memory_space<hbm>> -> memref<4x1024xf32, #tpu.memory_space<hbm>>
      tpu.wait_dma2 semaphore(%arg11 : memref<!tpu.dma_semaphore, #tpu.memory_space<semaphore_mem>>) src(%dma_wait3A_613 : memref<4x1024xf32, #tpu.memory_space<hbm>>) dst(%dma_wait3A_610 : memref<4x1024xf32, #tpu.memory_space<vmem>>)
      %add3A_614 = arith.constant 4 : i32
      %add3A_615 = arith.addi %mul3A_466, %add3A_614 : i32
      %mul3A_616 = arith.constant 4 : i32
      %mul3A_617 = arith.muli %add3A_615, %mul3A_616 : i32
      %add3A_618 = arith.addi %mul3A_2, %mul3A_617 : i32
      %dma_start3A_619 = arith.constant 4 : i32
      %dma_start3A_620 = arith.constant 0 : i32
      %dma_start3A_621 = arith.constant 0 : i32
      %dma_start3A_622 = tpu.memref_slice %arg6[%dma_start3A_619, %dma_start3A_620, %dma_start3A_621] : memref<8x4x1024xf32, #tpu.memory_space<vmem>> -> memref<1x4x1024xf32, #tpu.memory_space<vmem>>
      %dma_start3A_623 = tpu.memref_squeeze %dma_start3A_622 : memref<1x4x1024xf32, #tpu.memory_space<vmem>> -> memref<4x1024xf32, #tpu.memory_space<vmem>>
      %dma_start3A_624 = arith.constant 0 : i32
      %dma_start3A_625 = tpu.memref_slice %arg4[%add3A_618, %dma_start3A_624] : memref<32768x1024xf32, #tpu.memory_space<hbm>> -> memref<4x1024xf32, #tpu.memory_space<hbm>>
      %dma_start3A_626 = arith.constant 0 : i32
      %dma_start3A_627 = tpu.memref_slice %arg4[%add3A_618, %dma_start3A_626] : memref<32768x1024xf32, #tpu.memory_space<hbm>> -> memref<4x1024xf32, #tpu.memory_space<hbm>>
      %dma_start3A_628 = arith.constant 0 : i32
      %dma_start3A_629 = arith.constant 0 : i32
      %dma_start3A_630 = tpu.memref_slice %arg6[%dma_start3A_619, %dma_start3A_628, %dma_start3A_629] : memref<8x4x1024xf32, #tpu.memory_space<vmem>> -> memref<1x4x1024xf32, #tpu.memory_space<vmem>>
      %dma_start3A_631 = tpu.memref_squeeze %dma_start3A_630 : memref<1x4x1024xf32, #tpu.memory_space<vmem>> -> memref<4x1024xf32, #tpu.memory_space<vmem>>
      tpu.enqueue_dma source(%dma_start3A_631 : memref<4x1024xf32, #tpu.memory_space<vmem>>) target(%dma_start3A_627 : memref<4x1024xf32, #tpu.memory_space<hbm>>) target_semaphore(%arg19 : memref<!tpu.dma_semaphore, #tpu.memory_space<semaphore_mem>>)
      %dma_wait3A_632 = arith.constant 5 : i32
      %dma_wait3A_633 = arith.constant 0 : i32
      %dma_wait3A_634 = arith.constant 0 : i32
      %dma_wait3A_635 = tpu.memref_slice %arg6[%dma_wait3A_632, %dma_wait3A_633, %dma_wait3A_634] : memref<8x4x1024xf32, #tpu.memory_space<vmem>> -> memref<1x4x1024xf32, #tpu.memory_space<vmem>>
      %dma_wait3A_636 = tpu.memref_squeeze %dma_wait3A_635 : memref<1x4x1024xf32, #tpu.memory_space<vmem>> -> memref<4x1024xf32, #tpu.memory_space<vmem>>
      %dma_wait3A_637 = arith.constant 0 : i32
      %dma_wait3A_638 = arith.constant 0 : i32
      %dma_wait3A_639 = tpu.memref_slice %arg3[%dma_wait3A_637, %dma_wait3A_638] : memref<8192x1024xf32, #tpu.memory_space<hbm>> -> memref<4x1024xf32, #tpu.memory_space<hbm>>
      %dma_wait3A_640 = arith.constant 0 : i32
      %dma_wait3A_641 = arith.constant 0 : i32
      %dma_wait3A_642 = tpu.memref_slice %arg6[%dma_wait3A_632, %dma_wait3A_640, %dma_wait3A_641] : memref<8x4x1024xf32, #tpu.memory_space<vmem>> -> memref<1x4x1024xf32, #tpu.memory_space<vmem>>
      %dma_wait3A_643 = tpu.memref_squeeze %dma_wait3A_642 : memref<1x4x1024xf32, #tpu.memory_space<vmem>> -> memref<4x1024xf32, #tpu.memory_space<vmem>>
      %dma_wait3A_644 = arith.constant 0 : i32
      %dma_wait3A_645 = arith.constant 0 : i32
      %dma_wait3A_646 = tpu.memref_slice %arg3[%dma_wait3A_644, %dma_wait3A_645] : memref<8192x1024xf32, #tpu.memory_space<hbm>> -> memref<4x1024xf32, #tpu.memory_space<hbm>>
      tpu.wait_dma2 semaphore(%arg12 : memref<!tpu.dma_semaphore, #tpu.memory_space<semaphore_mem>>) src(%dma_wait3A_646 : memref<4x1024xf32, #tpu.memory_space<hbm>>) dst(%dma_wait3A_643 : memref<4x1024xf32, #tpu.memory_space<vmem>>)
      %add3A_647 = arith.constant 5 : i32
      %add3A_648 = arith.addi %mul3A_466, %add3A_647 : i32
      %mul3A_649 = arith.constant 4 : i32
      %mul3A_650 = arith.muli %add3A_648, %mul3A_649 : i32
      %add3A_651 = arith.addi %mul3A_2, %mul3A_650 : i32
      %dma_start3A_652 = arith.constant 5 : i32
      %dma_start3A_653 = arith.constant 0 : i32
      %dma_start3A_654 = arith.constant 0 : i32
      %dma_start3A_655 = tpu.memref_slice %arg6[%dma_start3A_652, %dma_start3A_653, %dma_start3A_654] : memref<8x4x1024xf32, #tpu.memory_space<vmem>> -> memref<1x4x1024xf32, #tpu.memory_space<vmem>>
      %dma_start3A_656 = tpu.memref_squeeze %dma_start3A_655 : memref<1x4x1024xf32, #tpu.memory_space<vmem>> -> memref<4x1024xf32, #tpu.memory_space<vmem>>
      %dma_start3A_657 = arith.constant 0 : i32
      %dma_start3A_658 = tpu.memref_slice %arg4[%add3A_651, %dma_start3A_657] : memref<32768x1024xf32, #tpu.memory_space<hbm>> -> memref<4x1024xf32, #tpu.memory_space<hbm>>
      %dma_start3A_659 = arith.constant 0 : i32
      %dma_start3A_660 = tpu.memref_slice %arg4[%add3A_651, %dma_start3A_659] : memref<32768x1024xf32, #tpu.memory_space<hbm>> -> memref<4x1024xf32, #tpu.memory_space<hbm>>
      %dma_start3A_661 = arith.constant 0 : i32
      %dma_start3A_662 = arith.constant 0 : i32
      %dma_start3A_663 = tpu.memref_slice %arg6[%dma_start3A_652, %dma_start3A_661, %dma_start3A_662] : memref<8x4x1024xf32, #tpu.memory_space<vmem>> -> memref<1x4x1024xf32, #tpu.memory_space<vmem>>
      %dma_start3A_664 = tpu.memref_squeeze %dma_start3A_663 : memref<1x4x1024xf32, #tpu.memory_space<vmem>> -> memref<4x1024xf32, #tpu.memory_space<vmem>>
      tpu.enqueue_dma source(%dma_start3A_664 : memref<4x1024xf32, #tpu.memory_space<vmem>>) target(%dma_start3A_660 : memref<4x1024xf32, #tpu.memory_space<hbm>>) target_semaphore(%arg20 : memref<!tpu.dma_semaphore, #tpu.memory_space<semaphore_mem>>)
      %dma_wait3A_665 = arith.constant 6 : i32
      %dma_wait3A_666 = arith.constant 0 : i32
      %dma_wait3A_667 = arith.constant 0 : i32
      %dma_wait3A_668 = tpu.memref_slice %arg6[%dma_wait3A_665, %dma_wait3A_666, %dma_wait3A_667] : memref<8x4x1024xf32, #tpu.memory_space<vmem>> -> memref<1x4x1024xf32, #tpu.memory_space<vmem>>
      %dma_wait3A_669 = tpu.memref_squeeze %dma_wait3A_668 : memref<1x4x1024xf32, #tpu.memory_space<vmem>> -> memref<4x1024xf32, #tpu.memory_space<vmem>>
      %dma_wait3A_670 = arith.constant 0 : i32
      %dma_wait3A_671 = arith.constant 0 : i32
      %dma_wait3A_672 = tpu.memref_slice %arg3[%dma_wait3A_670, %dma_wait3A_671] : memref<8192x1024xf32, #tpu.memory_space<hbm>> -> memref<4x1024xf32, #tpu.memory_space<hbm>>
      %dma_wait3A_673 = arith.constant 0 : i32
      %dma_wait3A_674 = arith.constant 0 : i32
      %dma_wait3A_675 = tpu.memref_slice %arg6[%dma_wait3A_665, %dma_wait3A_673, %dma_wait3A_674] : memref<8x4x1024xf32, #tpu.memory_space<vmem>> -> memref<1x4x1024xf32, #tpu.memory_space<vmem>>
      %dma_wait3A_676 = tpu.memref_squeeze %dma_wait3A_675 : memref<1x4x1024xf32, #tpu.memory_space<vmem>> -> memref<4x1024xf32, #tpu.memory_space<vmem>>
      %dma_wait3A_677 = arith.constant 0 : i32
      %dma_wait3A_678 = arith.constant 0 : i32
      %dma_wait3A_679 = tpu.memref_slice %arg3[%dma_wait3A_677, %dma_wait3A_678] : memref<8192x1024xf32, #tpu.memory_space<hbm>> -> memref<4x1024xf32, #tpu.memory_space<hbm>>
      tpu.wait_dma2 semaphore(%arg13 : memref<!tpu.dma_semaphore, #tpu.memory_space<semaphore_mem>>) src(%dma_wait3A_679 : memref<4x1024xf32, #tpu.memory_space<hbm>>) dst(%dma_wait3A_676 : memref<4x1024xf32, #tpu.memory_space<vmem>>)
      %add3A_680 = arith.constant 6 : i32
      %add3A_681 = arith.addi %mul3A_466, %add3A_680 : i32
      %mul3A_682 = arith.constant 4 : i32
      %mul3A_683 = arith.muli %add3A_681, %mul3A_682 : i32
      %add3A_684 = arith.addi %mul3A_2, %mul3A_683 : i32
      %dma_start3A_685 = arith.constant 6 : i32
      %dma_start3A_686 = arith.constant 0 : i32
      %dma_start3A_687 = arith.constant 0 : i32
      %dma_start3A_688 = tpu.memref_slice %arg6[%dma_start3A_685, %dma_start3A_686, %dma_start3A_687] : memref<8x4x1024xf32, #tpu.memory_space<vmem>> -> memref<1x4x1024xf32, #tpu.memory_space<vmem>>
      %dma_start3A_689 = tpu.memref_squeeze %dma_start3A_688 : memref<1x4x1024xf32, #tpu.memory_space<vmem>> -> memref<4x1024xf32, #tpu.memory_space<vmem>>
      %dma_start3A_690 = arith.constant 0 : i32
      %dma_start3A_691 = tpu.memref_slice %arg4[%add3A_684, %dma_start3A_690] : memref<32768x1024xf32, #tpu.memory_space<hbm>> -> memref<4x1024xf32, #tpu.memory_space<hbm>>
      %dma_start3A_692 = arith.constant 0 : i32
      %dma_start3A_693 = tpu.memref_slice %arg4[%add3A_684, %dma_start3A_692] : memref<32768x1024xf32, #tpu.memory_space<hbm>> -> memref<4x1024xf32, #tpu.memory_space<hbm>>
      %dma_start3A_694 = arith.constant 0 : i32
      %dma_start3A_695 = arith.constant 0 : i32
      %dma_start3A_696 = tpu.memref_slice %arg6[%dma_start3A_685, %dma_start3A_694, %dma_start3A_695] : memref<8x4x1024xf32, #tpu.memory_space<vmem>> -> memref<1x4x1024xf32, #tpu.memory_space<vmem>>
      %dma_start3A_697 = tpu.memref_squeeze %dma_start3A_696 : memref<1x4x1024xf32, #tpu.memory_space<vmem>> -> memref<4x1024xf32, #tpu.memory_space<vmem>>
      tpu.enqueue_dma source(%dma_start3A_697 : memref<4x1024xf32, #tpu.memory_space<vmem>>) target(%dma_start3A_693 : memref<4x1024xf32, #tpu.memory_space<hbm>>) target_semaphore(%arg21 : memref<!tpu.dma_semaphore, #tpu.memory_space<semaphore_mem>>)
      %dma_wait3A_698 = arith.constant 7 : i32
      %dma_wait3A_699 = arith.constant 0 : i32
      %dma_wait3A_700 = arith.constant 0 : i32
      %dma_wait3A_701 = tpu.memref_slice %arg6[%dma_wait3A_698, %dma_wait3A_699, %dma_wait3A_700] : memref<8x4x1024xf32, #tpu.memory_space<vmem>> -> memref<1x4x1024xf32, #tpu.memory_space<vmem>>
      %dma_wait3A_702 = tpu.memref_squeeze %dma_wait3A_701 : memref<1x4x1024xf32, #tpu.memory_space<vmem>> -> memref<4x1024xf32, #tpu.memory_space<vmem>>
      %dma_wait3A_703 = arith.constant 0 : i32
      %dma_wait3A_704 = arith.constant 0 : i32
      %dma_wait3A_705 = tpu.memref_slice %arg3[%dma_wait3A_703, %dma_wait3A_704] : memref<8192x1024xf32, #tpu.memory_space<hbm>> -> memref<4x1024xf32, #tpu.memory_space<hbm>>
      %dma_wait3A_706 = arith.constant 0 : i32
      %dma_wait3A_707 = arith.constant 0 : i32
      %dma_wait3A_708 = tpu.memref_slice %arg6[%dma_wait3A_698, %dma_wait3A_706, %dma_wait3A_707] : memref<8x4x1024xf32, #tpu.memory_space<vmem>> -> memref<1x4x1024xf32, #tpu.memory_space<vmem>>
      %dma_wait3A_709 = tpu.memref_squeeze %dma_wait3A_708 : memref<1x4x1024xf32, #tpu.memory_space<vmem>> -> memref<4x1024xf32, #tpu.memory_space<vmem>>
      %dma_wait3A_710 = arith.constant 0 : i32
      %dma_wait3A_711 = arith.constant 0 : i32
      %dma_wait3A_712 = tpu.memref_slice %arg3[%dma_wait3A_710, %dma_wait3A_711] : memref<8192x1024xf32, #tpu.memory_space<hbm>> -> memref<4x1024xf32, #tpu.memory_space<hbm>>
      tpu.wait_dma2 semaphore(%arg14 : memref<!tpu.dma_semaphore, #tpu.memory_space<semaphore_mem>>) src(%dma_wait3A_712 : memref<4x1024xf32, #tpu.memory_space<hbm>>) dst(%dma_wait3A_709 : memref<4x1024xf32, #tpu.memory_space<vmem>>)
      %add3A_713 = arith.constant 7 : i32
      %add3A_714 = arith.addi %mul3A_466, %add3A_713 : i32
      %mul3A_715 = arith.constant 4 : i32
      %mul3A_716 = arith.muli %add3A_714, %mul3A_715 : i32
      %add3A_717 = arith.addi %mul3A_2, %mul3A_716 : i32
      %dma_start3A_718 = arith.constant 7 : i32
      %dma_start3A_719 = arith.constant 0 : i32
      %dma_start3A_720 = arith.constant 0 : i32
      %dma_start3A_721 = tpu.memref_slice %arg6[%dma_start3A_718, %dma_start3A_719, %dma_start3A_720] : memref<8x4x1024xf32, #tpu.memory_space<vmem>> -> memref<1x4x1024xf32, #tpu.memory_space<vmem>>
      %dma_start3A_722 = tpu.memref_squeeze %dma_start3A_721 : memref<1x4x1024xf32, #tpu.memory_space<vmem>> -> memref<4x1024xf32, #tpu.memory_space<vmem>>
      %dma_start3A_723 = arith.constant 0 : i32
      %dma_start3A_724 = tpu.memref_slice %arg4[%add3A_717, %dma_start3A_723] : memref<32768x1024xf32, #tpu.memory_space<hbm>> -> memref<4x1024xf32, #tpu.memory_space<hbm>>
      %dma_start3A_725 = arith.constant 0 : i32
      %dma_start3A_726 = tpu.memref_slice %arg4[%add3A_717, %dma_start3A_725] : memref<32768x1024xf32, #tpu.memory_space<hbm>> -> memref<4x1024xf32, #tpu.memory_space<hbm>>
      %dma_start3A_727 = arith.constant 0 : i32
      %dma_start3A_728 = arith.constant 0 : i32
      %dma_start3A_729 = tpu.memref_slice %arg6[%dma_start3A_718, %dma_start3A_727, %dma_start3A_728] : memref<8x4x1024xf32, #tpu.memory_space<vmem>> -> memref<1x4x1024xf32, #tpu.memory_space<vmem>>
      %dma_start3A_730 = tpu.memref_squeeze %dma_start3A_729 : memref<1x4x1024xf32, #tpu.memory_space<vmem>> -> memref<4x1024xf32, #tpu.memory_space<vmem>>
      tpu.enqueue_dma source(%dma_start3A_730 : memref<4x1024xf32, #tpu.memory_space<vmem>>) target(%dma_start3A_726 : memref<4x1024xf32, #tpu.memory_space<hbm>>) target_semaphore(%arg22 : memref<!tpu.dma_semaphore, #tpu.memory_space<semaphore_mem>>)
      %dma_wait3A_731 = arith.constant 0 : i32
      %dma_wait3A_732 = arith.constant 0 : i32
      %dma_wait3A_733 = arith.constant 0 : i32
      %dma_wait3A_734 = tpu.memref_slice %arg6[%dma_wait3A_731, %dma_wait3A_732, %dma_wait3A_733] : memref<8x4x1024xf32, #tpu.memory_space<vmem>> -> memref<1x4x1024xf32, #tpu.memory_space<vmem>>
      %dma_wait3A_735 = tpu.memref_squeeze %dma_wait3A_734 : memref<1x4x1024xf32, #tpu.memory_space<vmem>> -> memref<4x1024xf32, #tpu.memory_space<vmem>>
      %dma_wait3A_736 = arith.constant 0 : i32
      %dma_wait3A_737 = arith.constant 0 : i32
      %dma_wait3A_738 = tpu.memref_slice %arg4[%dma_wait3A_736, %dma_wait3A_737] : memref<32768x1024xf32, #tpu.memory_space<hbm>> -> memref<4x1024xf32, #tpu.memory_space<hbm>>
      %dma_wait3A_739 = arith.constant 0 : i32
      %dma_wait3A_740 = arith.constant 0 : i32
      %dma_wait3A_741 = tpu.memref_slice %arg4[%dma_wait3A_739, %dma_wait3A_740] : memref<32768x1024xf32, #tpu.memory_space<hbm>> -> memref<4x1024xf32, #tpu.memory_space<hbm>>
      %dma_wait3A_742 = arith.constant 0 : i32
      %dma_wait3A_743 = arith.constant 0 : i32
      %dma_wait3A_744 = tpu.memref_slice %arg6[%dma_wait3A_731, %dma_wait3A_742, %dma_wait3A_743] : memref<8x4x1024xf32, #tpu.memory_space<vmem>> -> memref<1x4x1024xf32, #tpu.memory_space<vmem>>
      %dma_wait3A_745 = tpu.memref_squeeze %dma_wait3A_744 : memref<1x4x1024xf32, #tpu.memory_space<vmem>> -> memref<4x1024xf32, #tpu.memory_space<vmem>>
      tpu.wait_dma2 semaphore(%arg15 : memref<!tpu.dma_semaphore, #tpu.memory_space<semaphore_mem>>) src(%dma_wait3A_745 : memref<4x1024xf32, #tpu.memory_space<vmem>>) dst(%dma_wait3A_741 : memref<4x1024xf32, #tpu.memory_space<hbm>>)
      %add3A_746 = arith.constant 0 : i32
      %add3A_747 = arith.addi %mul3A_466, %add3A_746 : i32
      %add3A_748 = arith.constant 8 : i32
      %add3A_749 = arith.addi %add3A_747, %add3A_748 : i32
      %dma_start3A_750 = arith.constant 0 : i32
      %dma_start3A_751 = arith.constant 0 : i32
      %dma_start3A_752 = arith.constant 0 : i32
      %dma_start3A_753 = tpu.memref_slice %arg6[%dma_start3A_750, %dma_start3A_751, %dma_start3A_752] : memref<8x4x1024xf32, #tpu.memory_space<vmem>> -> memref<1x4x1024xf32, #tpu.memory_space<vmem>>
      %dma_start3A_754 = tpu.memref_squeeze %dma_start3A_753 : memref<1x4x1024xf32, #tpu.memory_space<vmem>> -> memref<4x1024xf32, #tpu.memory_space<vmem>>
      %dma_start3A_755 = arith.constant 0 : i32
      %dma_start3A_756 = tpu.memref_slice %arg5[%add3A_749, %dma_start3A_755] : memref<256x4xi32, #tpu.memory_space<vmem>> -> memref<1x4xi32, #tpu.memory_space<vmem>>
      %dma_start3A_757 = tpu.memref_squeeze %dma_start3A_756 : memref<1x4xi32, #tpu.memory_space<vmem>> -> memref<4xi32, #tpu.memory_space<vmem>>
      %dma_start3A_758 = arith.constant 0 : i32
      %dma_start3A_759 = arith.constant 0 : i32
      %dma_start3A_760 = tpu.memref_slice %arg3[%dma_start3A_758, %dma_start3A_759] : memref<8192x1024xf32, #tpu.memory_space<hbm>> -> memref<8192x1024xf32, #tpu.memory_space<hbm>>
      tpu.enqueue_indirect_dma source(%dma_start3A_760 : memref<8192x1024xf32, #tpu.memory_space<hbm>>) target(%dma_start3A_754 : memref<4x1024xf32, #tpu.memory_space<vmem>>) offsets(%dma_start3A_757 : memref<4xi32, #tpu.memory_space<vmem>>) semaphore(%arg7 : memref<!tpu.dma_semaphore, #tpu.memory_space<semaphore_mem>>)
      %dma_wait3A_761 = arith.constant 1 : i32
      %dma_wait3A_762 = arith.constant 0 : i32
      %dma_wait3A_763 = arith.constant 0 : i32
      %dma_wait3A_764 = tpu.memref_slice %arg6[%dma_wait3A_761, %dma_wait3A_762, %dma_wait3A_763] : memref<8x4x1024xf32, #tpu.memory_space<vmem>> -> memref<1x4x1024xf32, #tpu.memory_space<vmem>>
      %dma_wait3A_765 = tpu.memref_squeeze %dma_wait3A_764 : memref<1x4x1024xf32, #tpu.memory_space<vmem>> -> memref<4x1024xf32, #tpu.memory_space<vmem>>
      %dma_wait3A_766 = arith.constant 0 : i32
      %dma_wait3A_767 = arith.constant 0 : i32
      %dma_wait3A_768 = tpu.memref_slice %arg4[%dma_wait3A_766, %dma_wait3A_767] : memref<32768x1024xf32, #tpu.memory_space<hbm>> -> memref<4x1024xf32, #tpu.memory_space<hbm>>
      %dma_wait3A_769 = arith.constant 0 : i32
      %dma_wait3A_770 = arith.constant 0 : i32
      %dma_wait3A_771 = tpu.memref_slice %arg4[%dma_wait3A_769, %dma_wait3A_770] : memref<32768x1024xf32, #tpu.memory_space<hbm>> -> memref<4x1024xf32, #tpu.memory_space<hbm>>
      %dma_wait3A_772 = arith.constant 0 : i32
      %dma_wait3A_773 = arith.constant 0 : i32
      %dma_wait3A_774 = tpu.memref_slice %arg6[%dma_wait3A_761, %dma_wait3A_772, %dma_wait3A_773] : memref<8x4x1024xf32, #tpu.memory_space<vmem>> -> memref<1x4x1024xf32, #tpu.memory_space<vmem>>
      %dma_wait3A_775 = tpu.memref_squeeze %dma_wait3A_774 : memref<1x4x1024xf32, #tpu.memory_space<vmem>> -> memref<4x1024xf32, #tpu.memory_space<vmem>>
      tpu.wait_dma2 semaphore(%arg16 : memref<!tpu.dma_semaphore, #tpu.memory_space<semaphore_mem>>) src(%dma_wait3A_775 : memref<4x1024xf32, #tpu.memory_space<vmem>>) dst(%dma_wait3A_771 : memref<4x1024xf32, #tpu.memory_space<hbm>>)
      %add3A_776 = arith.constant 1 : i32
      %add3A_777 = arith.addi %mul3A_466, %add3A_776 : i32
      %add3A_778 = arith.constant 8 : i32
      %add3A_779 = arith.addi %add3A_777, %add3A_778 : i32
      %dma_start3A_780 = arith.constant 1 : i32
      %dma_start3A_781 = arith.constant 0 : i32
      %dma_start3A_782 = arith.constant 0 : i32
      %dma_start3A_783 = tpu.memref_slice %arg6[%dma_start3A_780, %dma_start3A_781, %dma_start3A_782] : memref<8x4x1024xf32, #tpu.memory_space<vmem>> -> memref<1x4x1024xf32, #tpu.memory_space<vmem>>
      %dma_start3A_784 = tpu.memref_squeeze %dma_start3A_783 : memref<1x4x1024xf32, #tpu.memory_space<vmem>> -> memref<4x1024xf32, #tpu.memory_space<vmem>>
      %dma_start3A_785 = arith.constant 0 : i32
      %dma_start3A_786 = tpu.memref_slice %arg5[%add3A_779, %dma_start3A_785] : memref<256x4xi32, #tpu.memory_space<vmem>> -> memref<1x4xi32, #tpu.memory_space<vmem>>
      %dma_start3A_787 = tpu.memref_squeeze %dma_start3A_786 : memref<1x4xi32, #tpu.memory_space<vmem>> -> memref<4xi32, #tpu.memory_space<vmem>>
      %dma_start3A_788 = arith.constant 0 : i32
      %dma_start3A_789 = arith.constant 0 : i32
      %dma_start3A_790 = tpu.memref_slice %arg3[%dma_start3A_788, %dma_start3A_789] : memref<8192x1024xf32, #tpu.memory_space<hbm>> -> memref<8192x1024xf32, #tpu.memory_space<hbm>>
      tpu.enqueue_indirect_dma source(%dma_start3A_790 : memref<8192x1024xf32, #tpu.memory_space<hbm>>) target(%dma_start3A_784 : memref<4x1024xf32, #tpu.memory_space<vmem>>) offsets(%dma_start3A_787 : memref<4xi32, #tpu.memory_space<vmem>>) semaphore(%arg8 : memref<!tpu.dma_semaphore, #tpu.memory_space<semaphore_mem>>)
      %dma_wait3A_791 = arith.constant 2 : i32
      %dma_wait3A_792 = arith.constant 0 : i32
      %dma_wait3A_793 = arith.constant 0 : i32
      %dma_wait3A_794 = tpu.memref_slice %arg6[%dma_wait3A_791, %dma_wait3A_792, %dma_wait3A_793] : memref<8x4x1024xf32, #tpu.memory_space<vmem>> -> memref<1x4x1024xf32, #tpu.memory_space<vmem>>
      %dma_wait3A_795 = tpu.memref_squeeze %dma_wait3A_794 : memref<1x4x1024xf32, #tpu.memory_space<vmem>> -> memref<4x1024xf32, #tpu.memory_space<vmem>>
      %dma_wait3A_796 = arith.constant 0 : i32
      %dma_wait3A_797 = arith.constant 0 : i32
      %dma_wait3A_798 = tpu.memref_slice %arg4[%dma_wait3A_796, %dma_wait3A_797] : memref<32768x1024xf32, #tpu.memory_space<hbm>> -> memref<4x1024xf32, #tpu.memory_space<hbm>>
      %dma_wait3A_799 = arith.constant 0 : i32
      %dma_wait3A_800 = arith.constant 0 : i32
      %dma_wait3A_801 = tpu.memref_slice %arg4[%dma_wait3A_799, %dma_wait3A_800] : memref<32768x1024xf32, #tpu.memory_space<hbm>> -> memref<4x1024xf32, #tpu.memory_space<hbm>>
      %dma_wait3A_802 = arith.constant 0 : i32
      %dma_wait3A_803 = arith.constant 0 : i32
      %dma_wait3A_804 = tpu.memref_slice %arg6[%dma_wait3A_791, %dma_wait3A_802, %dma_wait3A_803] : memref<8x4x1024xf32, #tpu.memory_space<vmem>> -> memref<1x4x1024xf32, #tpu.memory_space<vmem>>
      %dma_wait3A_805 = tpu.memref_squeeze %dma_wait3A_804 : memref<1x4x1024xf32, #tpu.memory_space<vmem>> -> memref<4x1024xf32, #tpu.memory_space<vmem>>
      tpu.wait_dma2 semaphore(%arg17 : memref<!tpu.dma_semaphore, #tpu.memory_space<semaphore_mem>>) src(%dma_wait3A_805 : memref<4x1024xf32, #tpu.memory_space<vmem>>) dst(%dma_wait3A_801 : memref<4x1024xf32, #tpu.memory_space<hbm>>)
      %add3A_806 = arith.constant 2 : i32
      %add3A_807 = arith.addi %mul3A_466, %add3A_806 : i32
      %add3A_808 = arith.constant 8 : i32
      %add3A_809 = arith.addi %add3A_807, %add3A_808 : i32
      %dma_start3A_810 = arith.constant 2 : i32
      %dma_start3A_811 = arith.constant 0 : i32
      %dma_start3A_812 = arith.constant 0 : i32
      %dma_start3A_813 = tpu.memref_slice %arg6[%dma_start3A_810, %dma_start3A_811, %dma_start3A_812] : memref<8x4x1024xf32, #tpu.memory_space<vmem>> -> memref<1x4x1024xf32, #tpu.memory_space<vmem>>
      %dma_start3A_814 = tpu.memref_squeeze %dma_start3A_813 : memref<1x4x1024xf32, #tpu.memory_space<vmem>> -> memref<4x1024xf32, #tpu.memory_space<vmem>>
      %dma_start3A_815 = arith.constant 0 : i32
      %dma_start3A_816 = tpu.memref_slice %arg5[%add3A_809, %dma_start3A_815] : memref<256x4xi32, #tpu.memory_space<vmem>> -> memref<1x4xi32, #tpu.memory_space<vmem>>
      %dma_start3A_817 = tpu.memref_squeeze %dma_start3A_816 : memref<1x4xi32, #tpu.memory_space<vmem>> -> memref<4xi32, #tpu.memory_space<vmem>>
      %dma_start3A_818 = arith.constant 0 : i32
      %dma_start3A_819 = arith.constant 0 : i32
      %dma_start3A_820 = tpu.memref_slice %arg3[%dma_start3A_818, %dma_start3A_819] : memref<8192x1024xf32, #tpu.memory_space<hbm>> -> memref<8192x1024xf32, #tpu.memory_space<hbm>>
      tpu.enqueue_indirect_dma source(%dma_start3A_820 : memref<8192x1024xf32, #tpu.memory_space<hbm>>) target(%dma_start3A_814 : memref<4x1024xf32, #tpu.memory_space<vmem>>) offsets(%dma_start3A_817 : memref<4xi32, #tpu.memory_space<vmem>>) semaphore(%arg9 : memref<!tpu.dma_semaphore, #tpu.memory_space<semaphore_mem>>)
      %dma_wait3A_821 = arith.constant 3 : i32
      %dma_wait3A_822 = arith.constant 0 : i32
      %dma_wait3A_823 = arith.constant 0 : i32
      %dma_wait3A_824 = tpu.memref_slice %arg6[%dma_wait3A_821, %dma_wait3A_822, %dma_wait3A_823] : memref<8x4x1024xf32, #tpu.memory_space<vmem>> -> memref<1x4x1024xf32, #tpu.memory_space<vmem>>
      %dma_wait3A_825 = tpu.memref_squeeze %dma_wait3A_824 : memref<1x4x1024xf32, #tpu.memory_space<vmem>> -> memref<4x1024xf32, #tpu.memory_space<vmem>>
      %dma_wait3A_826 = arith.constant 0 : i32
      %dma_wait3A_827 = arith.constant 0 : i32
      %dma_wait3A_828 = tpu.memref_slice %arg4[%dma_wait3A_826, %dma_wait3A_827] : memref<32768x1024xf32, #tpu.memory_space<hbm>> -> memref<4x1024xf32, #tpu.memory_space<hbm>>
      %dma_wait3A_829 = arith.constant 0 : i32
      %dma_wait3A_830 = arith.constant 0 : i32
      %dma_wait3A_831 = tpu.memref_slice %arg4[%dma_wait3A_829, %dma_wait3A_830] : memref<32768x1024xf32, #tpu.memory_space<hbm>> -> memref<4x1024xf32, #tpu.memory_space<hbm>>
      %dma_wait3A_832 = arith.constant 0 : i32
      %dma_wait3A_833 = arith.constant 0 : i32
      %dma_wait3A_834 = tpu.memref_slice %arg6[%dma_wait3A_821, %dma_wait3A_832, %dma_wait3A_833] : memref<8x4x1024xf32, #tpu.memory_space<vmem>> -> memref<1x4x1024xf32, #tpu.memory_space<vmem>>
      %dma_wait3A_835 = tpu.memref_squeeze %dma_wait3A_834 : memref<1x4x1024xf32, #tpu.memory_space<vmem>> -> memref<4x1024xf32, #tpu.memory_space<vmem>>
      tpu.wait_dma2 semaphore(%arg18 : memref<!tpu.dma_semaphore, #tpu.memory_space<semaphore_mem>>) src(%dma_wait3A_835 : memref<4x1024xf32, #tpu.memory_space<vmem>>) dst(%dma_wait3A_831 : memref<4x1024xf32, #tpu.memory_space<hbm>>)
      %add3A_836 = arith.constant 3 : i32
      %add3A_837 = arith.addi %mul3A_466, %add3A_836 : i32
      %add3A_838 = arith.constant 8 : i32
      %add3A_839 = arith.addi %add3A_837, %add3A_838 : i32
      %dma_start3A_840 = arith.constant 3 : i32
      %dma_start3A_841 = arith.constant 0 : i32
      %dma_start3A_842 = arith.constant 0 : i32
      %dma_start3A_843 = tpu.memref_slice %arg6[%dma_start3A_840, %dma_start3A_841, %dma_start3A_842] : memref<8x4x1024xf32, #tpu.memory_space<vmem>> -> memref<1x4x1024xf32, #tpu.memory_space<vmem>>
      %dma_start3A_844 = tpu.memref_squeeze %dma_start3A_843 : memref<1x4x1024xf32, #tpu.memory_space<vmem>> -> memref<4x1024xf32, #tpu.memory_space<vmem>>
      %dma_start3A_845 = arith.constant 0 : i32
      %dma_start3A_846 = tpu.memref_slice %arg5[%add3A_839, %dma_start3A_845] : memref<256x4xi32, #tpu.memory_space<vmem>> -> memref<1x4xi32, #tpu.memory_space<vmem>>
      %dma_start3A_847 = tpu.memref_squeeze %dma_start3A_846 : memref<1x4xi32, #tpu.memory_space<vmem>> -> memref<4xi32, #tpu.memory_space<vmem>>
      %dma_start3A_848 = arith.constant 0 : i32
      %dma_start3A_849 = arith.constant 0 : i32
      %dma_start3A_850 = tpu.memref_slice %arg3[%dma_start3A_848, %dma_start3A_849] : memref<8192x1024xf32, #tpu.memory_space<hbm>> -> memref<8192x1024xf32, #tpu.memory_space<hbm>>
      tpu.enqueue_indirect_dma source(%dma_start3A_850 : memref<8192x1024xf32, #tpu.memory_space<hbm>>) target(%dma_start3A_844 : memref<4x1024xf32, #tpu.memory_space<vmem>>) offsets(%dma_start3A_847 : memref<4xi32, #tpu.memory_space<vmem>>) semaphore(%arg10 : memref<!tpu.dma_semaphore, #tpu.memory_space<semaphore_mem>>)
      %dma_wait3A_851 = arith.constant 4 : i32
      %dma_wait3A_852 = arith.constant 0 : i32
      %dma_wait3A_853 = arith.constant 0 : i32
      %dma_wait3A_854 = tpu.memref_slice %arg6[%dma_wait3A_851, %dma_wait3A_852, %dma_wait3A_853] : memref<8x4x1024xf32, #tpu.memory_space<vmem>> -> memref<1x4x1024xf32, #tpu.memory_space<vmem>>
      %dma_wait3A_855 = tpu.memref_squeeze %dma_wait3A_854 : memref<1x4x1024xf32, #tpu.memory_space<vmem>> -> memref<4x1024xf32, #tpu.memory_space<vmem>>
      %dma_wait3A_856 = arith.constant 0 : i32
      %dma_wait3A_857 = arith.constant 0 : i32
      %dma_wait3A_858 = tpu.memref_slice %arg4[%dma_wait3A_856, %dma_wait3A_857] : memref<32768x1024xf32, #tpu.memory_space<hbm>> -> memref<4x1024xf32, #tpu.memory_space<hbm>>
      %dma_wait3A_859 = arith.constant 0 : i32
      %dma_wait3A_860 = arith.constant 0 : i32
      %dma_wait3A_861 = tpu.memref_slice %arg4[%dma_wait3A_859, %dma_wait3A_860] : memref<32768x1024xf32, #tpu.memory_space<hbm>> -> memref<4x1024xf32, #tpu.memory_space<hbm>>
      %dma_wait3A_862 = arith.constant 0 : i32
      %dma_wait3A_863 = arith.constant 0 : i32
      %dma_wait3A_864 = tpu.memref_slice %arg6[%dma_wait3A_851, %dma_wait3A_862, %dma_wait3A_863] : memref<8x4x1024xf32, #tpu.memory_space<vmem>> -> memref<1x4x1024xf32, #tpu.memory_space<vmem>>
      %dma_wait3A_865 = tpu.memref_squeeze %dma_wait3A_864 : memref<1x4x1024xf32, #tpu.memory_space<vmem>> -> memref<4x1024xf32, #tpu.memory_space<vmem>>
      tpu.wait_dma2 semaphore(%arg19 : memref<!tpu.dma_semaphore, #tpu.memory_space<semaphore_mem>>) src(%dma_wait3A_865 : memref<4x1024xf32, #tpu.memory_space<vmem>>) dst(%dma_wait3A_861 : memref<4x1024xf32, #tpu.memory_space<hbm>>)
      %add3A_866 = arith.constant 4 : i32
      %add3A_867 = arith.addi %mul3A_466, %add3A_866 : i32
      %add3A_868 = arith.constant 8 : i32
      %add3A_869 = arith.addi %add3A_867, %add3A_868 : i32
      %dma_start3A_870 = arith.constant 4 : i32
      %dma_start3A_871 = arith.constant 0 : i32
      %dma_start3A_872 = arith.constant 0 : i32
      %dma_start3A_873 = tpu.memref_slice %arg6[%dma_start3A_870, %dma_start3A_871, %dma_start3A_872] : memref<8x4x1024xf32, #tpu.memory_space<vmem>> -> memref<1x4x1024xf32, #tpu.memory_space<vmem>>
      %dma_start3A_874 = tpu.memref_squeeze %dma_start3A_873 : memref<1x4x1024xf32, #tpu.memory_space<vmem>> -> memref<4x1024xf32, #tpu.memory_space<vmem>>
      %dma_start3A_875 = arith.constant 0 : i32
      %dma_start3A_876 = tpu.memref_slice %arg5[%add3A_869, %dma_start3A_875] : memref<256x4xi32, #tpu.memory_space<vmem>> -> memref<1x4xi32, #tpu.memory_space<vmem>>
      %dma_start3A_877 = tpu.memref_squeeze %dma_start3A_876 : memref<1x4xi32, #tpu.memory_space<vmem>> -> memref<4xi32, #tpu.memory_space<vmem>>
      %dma_start3A_878 = arith.constant 0 : i32
      %dma_start3A_879 = arith.constant 0 : i32
      %dma_start3A_880 = tpu.memref_slice %arg3[%dma_start3A_878, %dma_start3A_879] : memref<8192x1024xf32, #tpu.memory_space<hbm>> -> memref<8192x1024xf32, #tpu.memory_space<hbm>>
      tpu.enqueue_indirect_dma source(%dma_start3A_880 : memref<8192x1024xf32, #tpu.memory_space<hbm>>) target(%dma_start3A_874 : memref<4x1024xf32, #tpu.memory_space<vmem>>) offsets(%dma_start3A_877 : memref<4xi32, #tpu.memory_space<vmem>>) semaphore(%arg11 : memref<!tpu.dma_semaphore, #tpu.memory_space<semaphore_mem>>)
      %dma_wait3A_881 = arith.constant 5 : i32
      %dma_wait3A_882 = arith.constant 0 : i32
      %dma_wait3A_883 = arith.constant 0 : i32
      %dma_wait3A_884 = tpu.memref_slice %arg6[%dma_wait3A_881, %dma_wait3A_882, %dma_wait3A_883] : memref<8x4x1024xf32, #tpu.memory_space<vmem>> -> memref<1x4x1024xf32, #tpu.memory_space<vmem>>
      %dma_wait3A_885 = tpu.memref_squeeze %dma_wait3A_884 : memref<1x4x1024xf32, #tpu.memory_space<vmem>> -> memref<4x1024xf32, #tpu.memory_space<vmem>>
      %dma_wait3A_886 = arith.constant 0 : i32
      %dma_wait3A_887 = arith.constant 0 : i32
      %dma_wait3A_888 = tpu.memref_slice %arg4[%dma_wait3A_886, %dma_wait3A_887] : memref<32768x1024xf32, #tpu.memory_space<hbm>> -> memref<4x1024xf32, #tpu.memory_space<hbm>>
      %dma_wait3A_889 = arith.constant 0 : i32
      %dma_wait3A_890 = arith.constant 0 : i32
      %dma_wait3A_891 = tpu.memref_slice %arg4[%dma_wait3A_889, %dma_wait3A_890] : memref<32768x1024xf32, #tpu.memory_space<hbm>> -> memref<4x1024xf32, #tpu.memory_space<hbm>>
      %dma_wait3A_892 = arith.constant 0 : i32
      %dma_wait3A_893 = arith.constant 0 : i32
      %dma_wait3A_894 = tpu.memref_slice %arg6[%dma_wait3A_881, %dma_wait3A_892, %dma_wait3A_893] : memref<8x4x1024xf32, #tpu.memory_space<vmem>> -> memref<1x4x1024xf32, #tpu.memory_space<vmem>>
      %dma_wait3A_895 = tpu.memref_squeeze %dma_wait3A_894 : memref<1x4x1024xf32, #tpu.memory_space<vmem>> -> memref<4x1024xf32, #tpu.memory_space<vmem>>
      tpu.wait_dma2 semaphore(%arg20 : memref<!tpu.dma_semaphore, #tpu.memory_space<semaphore_mem>>) src(%dma_wait3A_895 : memref<4x1024xf32, #tpu.memory_space<vmem>>) dst(%dma_wait3A_891 : memref<4x1024xf32, #tpu.memory_space<hbm>>)
      %add3A_896 = arith.constant 5 : i32
      %add3A_897 = arith.addi %mul3A_466, %add3A_896 : i32
      %add3A_898 = arith.constant 8 : i32
      %add3A_899 = arith.addi %add3A_897, %add3A_898 : i32
      %dma_start3A_900 = arith.constant 5 : i32
      %dma_start3A_901 = arith.constant 0 : i32
      %dma_start3A_902 = arith.constant 0 : i32
      %dma_start3A_903 = tpu.memref_slice %arg6[%dma_start3A_900, %dma_start3A_901, %dma_start3A_902] : memref<8x4x1024xf32, #tpu.memory_space<vmem>> -> memref<1x4x1024xf32, #tpu.memory_space<vmem>>
      %dma_start3A_904 = tpu.memref_squeeze %dma_start3A_903 : memref<1x4x1024xf32, #tpu.memory_space<vmem>> -> memref<4x1024xf32, #tpu.memory_space<vmem>>
      %dma_start3A_905 = arith.constant 0 : i32
      %dma_start3A_906 = tpu.memref_slice %arg5[%add3A_899, %dma_start3A_905] : memref<256x4xi32, #tpu.memory_space<vmem>> -> memref<1x4xi32, #tpu.memory_space<vmem>>
      %dma_start3A_907 = tpu.memref_squeeze %dma_start3A_906 : memref<1x4xi32, #tpu.memory_space<vmem>> -> memref<4xi32, #tpu.memory_space<vmem>>
      %dma_start3A_908 = arith.constant 0 : i32
      %dma_start3A_909 = arith.constant 0 : i32
      %dma_start3A_910 = tpu.memref_slice %arg3[%dma_start3A_908, %dma_start3A_909] : memref<8192x1024xf32, #tpu.memory_space<hbm>> -> memref<8192x1024xf32, #tpu.memory_space<hbm>>
      tpu.enqueue_indirect_dma source(%dma_start3A_910 : memref<8192x1024xf32, #tpu.memory_space<hbm>>) target(%dma_start3A_904 : memref<4x1024xf32, #tpu.memory_space<vmem>>) offsets(%dma_start3A_907 : memref<4xi32, #tpu.memory_space<vmem>>) semaphore(%arg12 : memref<!tpu.dma_semaphore, #tpu.memory_space<semaphore_mem>>)
      %dma_wait3A_911 = arith.constant 6 : i32
      %dma_wait3A_912 = arith.constant 0 : i32
      %dma_wait3A_913 = arith.constant 0 : i32
      %dma_wait3A_914 = tpu.memref_slice %arg6[%dma_wait3A_911, %dma_wait3A_912, %dma_wait3A_913] : memref<8x4x1024xf32, #tpu.memory_space<vmem>> -> memref<1x4x1024xf32, #tpu.memory_space<vmem>>
      %dma_wait3A_915 = tpu.memref_squeeze %dma_wait3A_914 : memref<1x4x1024xf32, #tpu.memory_space<vmem>> -> memref<4x1024xf32, #tpu.memory_space<vmem>>
      %dma_wait3A_916 = arith.constant 0 : i32
      %dma_wait3A_917 = arith.constant 0 : i32
      %dma_wait3A_918 = tpu.memref_slice %arg4[%dma_wait3A_916, %dma_wait3A_917] : memref<32768x1024xf32, #tpu.memory_space<hbm>> -> memref<4x1024xf32, #tpu.memory_space<hbm>>
      %dma_wait3A_919 = arith.constant 0 : i32
      %dma_wait3A_920 = arith.constant 0 : i32
      %dma_wait3A_921 = tpu.memref_slice %arg4[%dma_wait3A_919, %dma_wait3A_920] : memref<32768x1024xf32, #tpu.memory_space<hbm>> -> memref<4x1024xf32, #tpu.memory_space<hbm>>
      %dma_wait3A_922 = arith.constant 0 : i32
      %dma_wait3A_923 = arith.constant 0 : i32
      %dma_wait3A_924 = tpu.memref_slice %arg6[%dma_wait3A_911, %dma_wait3A_922, %dma_wait3A_923] : memref<8x4x1024xf32, #tpu.memory_space<vmem>> -> memref<1x4x1024xf32, #tpu.memory_space<vmem>>
      %dma_wait3A_925 = tpu.memref_squeeze %dma_wait3A_924 : memref<1x4x1024xf32, #tpu.memory_space<vmem>> -> memref<4x1024xf32, #tpu.memory_space<vmem>>
      tpu.wait_dma2 semaphore(%arg21 : memref<!tpu.dma_semaphore, #tpu.memory_space<semaphore_mem>>) src(%dma_wait3A_925 : memref<4x1024xf32, #tpu.memory_space<vmem>>) dst(%dma_wait3A_921 : memref<4x1024xf32, #tpu.memory_space<hbm>>)
      %add3A_926 = arith.constant 6 : i32
      %add3A_927 = arith.addi %mul3A_466, %add3A_926 : i32
      %add3A_928 = arith.constant 8 : i32
      %add3A_929 = arith.addi %add3A_927, %add3A_928 : i32
      %dma_start3A_930 = arith.constant 6 : i32
      %dma_start3A_931 = arith.constant 0 : i32
      %dma_start3A_932 = arith.constant 0 : i32
      %dma_start3A_933 = tpu.memref_slice %arg6[%dma_start3A_930, %dma_start3A_931, %dma_start3A_932] : memref<8x4x1024xf32, #tpu.memory_space<vmem>> -> memref<1x4x1024xf32, #tpu.memory_space<vmem>>
      %dma_start3A_934 = tpu.memref_squeeze %dma_start3A_933 : memref<1x4x1024xf32, #tpu.memory_space<vmem>> -> memref<4x1024xf32, #tpu.memory_space<vmem>>
      %dma_start3A_935 = arith.constant 0 : i32
      %dma_start3A_936 = tpu.memref_slice %arg5[%add3A_929, %dma_start3A_935] : memref<256x4xi32, #tpu.memory_space<vmem>> -> memref<1x4xi32, #tpu.memory_space<vmem>>
      %dma_start3A_937 = tpu.memref_squeeze %dma_start3A_936 : memref<1x4xi32, #tpu.memory_space<vmem>> -> memref<4xi32, #tpu.memory_space<vmem>>
      %dma_start3A_938 = arith.constant 0 : i32
      %dma_start3A_939 = arith.constant 0 : i32
      %dma_start3A_940 = tpu.memref_slice %arg3[%dma_start3A_938, %dma_start3A_939] : memref<8192x1024xf32, #tpu.memory_space<hbm>> -> memref<8192x1024xf32, #tpu.memory_space<hbm>>
      tpu.enqueue_indirect_dma source(%dma_start3A_940 : memref<8192x1024xf32, #tpu.memory_space<hbm>>) target(%dma_start3A_934 : memref<4x1024xf32, #tpu.memory_space<vmem>>) offsets(%dma_start3A_937 : memref<4xi32, #tpu.memory_space<vmem>>) semaphore(%arg13 : memref<!tpu.dma_semaphore, #tpu.memory_space<semaphore_mem>>)
      %dma_wait3A_941 = arith.constant 7 : i32
      %dma_wait3A_942 = arith.constant 0 : i32
      %dma_wait3A_943 = arith.constant 0 : i32
      %dma_wait3A_944 = tpu.memref_slice %arg6[%dma_wait3A_941, %dma_wait3A_942, %dma_wait3A_943] : memref<8x4x1024xf32, #tpu.memory_space<vmem>> -> memref<1x4x1024xf32, #tpu.memory_space<vmem>>
      %dma_wait3A_945 = tpu.memref_squeeze %dma_wait3A_944 : memref<1x4x1024xf32, #tpu.memory_space<vmem>> -> memref<4x1024xf32, #tpu.memory_space<vmem>>
      %dma_wait3A_946 = arith.constant 0 : i32
      %dma_wait3A_947 = arith.constant 0 : i32
      %dma_wait3A_948 = tpu.memref_slice %arg4[%dma_wait3A_946, %dma_wait3A_947] : memref<32768x1024xf32, #tpu.memory_space<hbm>> -> memref<4x1024xf32, #tpu.memory_space<hbm>>
      %dma_wait3A_949 = arith.constant 0 : i32
      %dma_wait3A_950 = arith.constant 0 : i32
      %dma_wait3A_951 = tpu.memref_slice %arg4[%dma_wait3A_949, %dma_wait3A_950] : memref<32768x1024xf32, #tpu.memory_space<hbm>> -> memref<4x1024xf32, #tpu.memory_space<hbm>>
      %dma_wait3A_952 = arith.constant 0 : i32
      %dma_wait3A_953 = arith.constant 0 : i32
      %dma_wait3A_954 = tpu.memref_slice %arg6[%dma_wait3A_941, %dma_wait3A_952, %dma_wait3A_953] : memref<8x4x1024xf32, #tpu.memory_space<vmem>> -> memref<1x4x1024xf32, #tpu.memory_space<vmem>>
      %dma_wait3A_955 = tpu.memref_squeeze %dma_wait3A_954 : memref<1x4x1024xf32, #tpu.memory_space<vmem>> -> memref<4x1024xf32, #tpu.memory_space<vmem>>
      tpu.wait_dma2 semaphore(%arg22 : memref<!tpu.dma_semaphore, #tpu.memory_space<semaphore_mem>>) src(%dma_wait3A_955 : memref<4x1024xf32, #tpu.memory_space<vmem>>) dst(%dma_wait3A_951 : memref<4x1024xf32, #tpu.memory_space<hbm>>)
      %add3A_956 = arith.constant 7 : i32
      %add3A_957 = arith.addi %mul3A_466, %add3A_956 : i32
      %add3A_958 = arith.constant 8 : i32
      %add3A_959 = arith.addi %add3A_957, %add3A_958 : i32
      %dma_start3A_960 = arith.constant 7 : i32
      %dma_start3A_961 = arith.constant 0 : i32
      %dma_start3A_962 = arith.constant 0 : i32
      %dma_start3A_963 = tpu.memref_slice %arg6[%dma_start3A_960, %dma_start3A_961, %dma_start3A_962] : memref<8x4x1024xf32, #tpu.memory_space<vmem>> -> memref<1x4x1024xf32, #tpu.memory_space<vmem>>
      %dma_start3A_964 = tpu.memref_squeeze %dma_start3A_963 : memref<1x4x1024xf32, #tpu.memory_space<vmem>> -> memref<4x1024xf32, #tpu.memory_space<vmem>>
      %dma_start3A_965 = arith.constant 0 : i32
      %dma_start3A_966 = tpu.memref_slice %arg5[%add3A_959, %dma_start3A_965] : memref<256x4xi32, #tpu.memory_space<vmem>> -> memref<1x4xi32, #tpu.memory_space<vmem>>
      %dma_start3A_967 = tpu.memref_squeeze %dma_start3A_966 : memref<1x4xi32, #tpu.memory_space<vmem>> -> memref<4xi32, #tpu.memory_space<vmem>>
      %dma_start3A_968 = arith.constant 0 : i32
      %dma_start3A_969 = arith.constant 0 : i32
      %dma_start3A_970 = tpu.memref_slice %arg3[%dma_start3A_968, %dma_start3A_969] : memref<8192x1024xf32, #tpu.memory_space<hbm>> -> memref<8192x1024xf32, #tpu.memory_space<hbm>>
      tpu.enqueue_indirect_dma source(%dma_start3A_970 : memref<8192x1024xf32, #tpu.memory_space<hbm>>) target(%dma_start3A_964 : memref<4x1024xf32, #tpu.memory_space<vmem>>) offsets(%dma_start3A_967 : memref<4xi32, #tpu.memory_space<vmem>>) semaphore(%arg14 : memref<!tpu.dma_semaphore, #tpu.memory_space<semaphore_mem>>)
    }
    %scan3A_104 = arith.constant 31 : i32
    %dma_wait3A = arith.constant 0 : i32
    %dma_wait3A_105 = arith.constant 0 : i32
    %dma_wait3A_106 = arith.constant 0 : i32
    %dma_wait3A_107 = tpu.memref_slice %arg6[%dma_wait3A, %dma_wait3A_105, %dma_wait3A_106] : memref<8x4x1024xf32, #tpu.memory_space<vmem>> -> memref<1x4x1024xf32, #tpu.memory_space<vmem>>
    %dma_wait3A_108 = tpu.memref_squeeze %dma_wait3A_107 : memref<1x4x1024xf32, #tpu.memory_space<vmem>> -> memref<4x1024xf32, #tpu.memory_space<vmem>>
    %dma_wait3A_109 = arith.constant 0 : i32
    %dma_wait3A_110 = arith.constant 0 : i32
    %dma_wait3A_111 = tpu.memref_slice %arg3[%dma_wait3A_109, %dma_wait3A_110] : memref<8192x1024xf32, #tpu.memory_space<hbm>> -> memref<4x1024xf32, #tpu.memory_space<hbm>>
    %dma_wait3A_112 = arith.constant 0 : i32
    %dma_wait3A_113 = arith.constant 0 : i32
    %dma_wait3A_114 = tpu.memref_slice %arg6[%dma_wait3A, %dma_wait3A_112, %dma_wait3A_113] : memref<8x4x1024xf32, #tpu.memory_space<vmem>> -> memref<1x4x1024xf32, #tpu.memory_space<vmem>>
    %dma_wait3A_115 = tpu.memref_squeeze %dma_wait3A_114 : memref<1x4x1024xf32, #tpu.memory_space<vmem>> -> memref<4x1024xf32, #tpu.memory_space<vmem>>
    %dma_wait3A_116 = arith.constant 0 : i32
    %dma_wait3A_117 = arith.constant 0 : i32
    %dma_wait3A_118 = tpu.memref_slice %arg3[%dma_wait3A_116, %dma_wait3A_117] : memref<8192x1024xf32, #tpu.memory_space<hbm>> -> memref<4x1024xf32, #tpu.memory_space<hbm>>
    tpu.wait_dma2 semaphore(%arg7 : memref<!tpu.dma_semaphore, #tpu.memory_space<semaphore_mem>>) src(%dma_wait3A_118 : memref<4x1024xf32, #tpu.memory_space<hbm>>) dst(%dma_wait3A_115 : memref<4x1024xf32, #tpu.memory_space<vmem>>)
    %add3A_119 = arith.constant 992 : i32
    %add3A_120 = arith.addi %mul3A_2, %add3A_119 : i32
    %dma_start3A_121 = arith.constant 0 : i32
    %dma_start3A_122 = arith.constant 0 : i32
    %dma_start3A_123 = arith.constant 0 : i32
    %dma_start3A_124 = tpu.memref_slice %arg6[%dma_start3A_121, %dma_start3A_122, %dma_start3A_123] : memref<8x4x1024xf32, #tpu.memory_space<vmem>> -> memref<1x4x1024xf32, #tpu.memory_space<vmem>>
    %dma_start3A_125 = tpu.memref_squeeze %dma_start3A_124 : memref<1x4x1024xf32, #tpu.memory_space<vmem>> -> memref<4x1024xf32, #tpu.memory_space<vmem>>
    %dma_start3A_126 = arith.constant 0 : i32
    %dma_start3A_127 = tpu.memref_slice %arg4[%add3A_120, %dma_start3A_126] : memref<32768x1024xf32, #tpu.memory_space<hbm>> -> memref<4x1024xf32, #tpu.memory_space<hbm>>
    %dma_start3A_128 = arith.constant 0 : i32
    %dma_start3A_129 = tpu.memref_slice %arg4[%add3A_120, %dma_start3A_128] : memref<32768x1024xf32, #tpu.memory_space<hbm>> -> memref<4x1024xf32, #tpu.memory_space<hbm>>
    %dma_start3A_130 = arith.constant 0 : i32
    %dma_start3A_131 = arith.constant 0 : i32
    %dma_start3A_132 = tpu.memref_slice %arg6[%dma_start3A_121, %dma_start3A_130, %dma_start3A_131] : memref<8x4x1024xf32, #tpu.memory_space<vmem>> -> memref<1x4x1024xf32, #tpu.memory_space<vmem>>
    %dma_start3A_133 = tpu.memref_squeeze %dma_start3A_132 : memref<1x4x1024xf32, #tpu.memory_space<vmem>> -> memref<4x1024xf32, #tpu.memory_space<vmem>>
    tpu.enqueue_dma source(%dma_start3A_133 : memref<4x1024xf32, #tpu.memory_space<vmem>>) target(%dma_start3A_129 : memref<4x1024xf32, #tpu.memory_space<hbm>>) target_semaphore(%arg15 : memref<!tpu.dma_semaphore, #tpu.memory_space<semaphore_mem>>)
    %dma_wait3A_134 = arith.constant 1 : i32
    %dma_wait3A_135 = arith.constant 0 : i32
    %dma_wait3A_136 = arith.constant 0 : i32
    %dma_wait3A_137 = tpu.memref_slice %arg6[%dma_wait3A_134, %dma_wait3A_135, %dma_wait3A_136] : memref<8x4x1024xf32, #tpu.memory_space<vmem>> -> memref<1x4x1024xf32, #tpu.memory_space<vmem>>
    %dma_wait3A_138 = tpu.memref_squeeze %dma_wait3A_137 : memref<1x4x1024xf32, #tpu.memory_space<vmem>> -> memref<4x1024xf32, #tpu.memory_space<vmem>>
    %dma_wait3A_139 = arith.constant 0 : i32
    %dma_wait3A_140 = arith.constant 0 : i32
    %dma_wait3A_141 = tpu.memref_slice %arg3[%dma_wait3A_139, %dma_wait3A_140] : memref<8192x1024xf32, #tpu.memory_space<hbm>> -> memref<4x1024xf32, #tpu.memory_space<hbm>>
    %dma_wait3A_142 = arith.constant 0 : i32
    %dma_wait3A_143 = arith.constant 0 : i32
    %dma_wait3A_144 = tpu.memref_slice %arg6[%dma_wait3A_134, %dma_wait3A_142, %dma_wait3A_143] : memref<8x4x1024xf32, #tpu.memory_space<vmem>> -> memref<1x4x1024xf32, #tpu.memory_space<vmem>>
    %dma_wait3A_145 = tpu.memref_squeeze %dma_wait3A_144 : memref<1x4x1024xf32, #tpu.memory_space<vmem>> -> memref<4x1024xf32, #tpu.memory_space<vmem>>
    %dma_wait3A_146 = arith.constant 0 : i32
    %dma_wait3A_147 = arith.constant 0 : i32
    %dma_wait3A_148 = tpu.memref_slice %arg3[%dma_wait3A_146, %dma_wait3A_147] : memref<8192x1024xf32, #tpu.memory_space<hbm>> -> memref<4x1024xf32, #tpu.memory_space<hbm>>
    tpu.wait_dma2 semaphore(%arg8 : memref<!tpu.dma_semaphore, #tpu.memory_space<semaphore_mem>>) src(%dma_wait3A_148 : memref<4x1024xf32, #tpu.memory_space<hbm>>) dst(%dma_wait3A_145 : memref<4x1024xf32, #tpu.memory_space<vmem>>)
    %add3A_149 = arith.constant 996 : i32
    %add3A_150 = arith.addi %mul3A_2, %add3A_149 : i32
    %dma_start3A_151 = arith.constant 1 : i32
    %dma_start3A_152 = arith.constant 0 : i32
    %dma_start3A_153 = arith.constant 0 : i32
    %dma_start3A_154 = tpu.memref_slice %arg6[%dma_start3A_151, %dma_start3A_152, %dma_start3A_153] : memref<8x4x1024xf32, #tpu.memory_space<vmem>> -> memref<1x4x1024xf32, #tpu.memory_space<vmem>>
    %dma_start3A_155 = tpu.memref_squeeze %dma_start3A_154 : memref<1x4x1024xf32, #tpu.memory_space<vmem>> -> memref<4x1024xf32, #tpu.memory_space<vmem>>
    %dma_start3A_156 = arith.constant 0 : i32
    %dma_start3A_157 = tpu.memref_slice %arg4[%add3A_150, %dma_start3A_156] : memref<32768x1024xf32, #tpu.memory_space<hbm>> -> memref<4x1024xf32, #tpu.memory_space<hbm>>
    %dma_start3A_158 = arith.constant 0 : i32
    %dma_start3A_159 = tpu.memref_slice %arg4[%add3A_150, %dma_start3A_158] : memref<32768x1024xf32, #tpu.memory_space<hbm>> -> memref<4x1024xf32, #tpu.memory_space<hbm>>
    %dma_start3A_160 = arith.constant 0 : i32
    %dma_start3A_161 = arith.constant 0 : i32
    %dma_start3A_162 = tpu.memref_slice %arg6[%dma_start3A_151, %dma_start3A_160, %dma_start3A_161] : memref<8x4x1024xf32, #tpu.memory_space<vmem>> -> memref<1x4x1024xf32, #tpu.memory_space<vmem>>
    %dma_start3A_163 = tpu.memref_squeeze %dma_start3A_162 : memref<1x4x1024xf32, #tpu.memory_space<vmem>> -> memref<4x1024xf32, #tpu.memory_space<vmem>>
    tpu.enqueue_dma source(%dma_start3A_163 : memref<4x1024xf32, #tpu.memory_space<vmem>>) target(%dma_start3A_159 : memref<4x1024xf32, #tpu.memory_space<hbm>>) target_semaphore(%arg16 : memref<!tpu.dma_semaphore, #tpu.memory_space<semaphore_mem>>)
    %dma_wait3A_164 = arith.constant 2 : i32
    %dma_wait3A_165 = arith.constant 0 : i32
    %dma_wait3A_166 = arith.constant 0 : i32
    %dma_wait3A_167 = tpu.memref_slice %arg6[%dma_wait3A_164, %dma_wait3A_165, %dma_wait3A_166] : memref<8x4x1024xf32, #tpu.memory_space<vmem>> -> memref<1x4x1024xf32, #tpu.memory_space<vmem>>
    %dma_wait3A_168 = tpu.memref_squeeze %dma_wait3A_167 : memref<1x4x1024xf32, #tpu.memory_space<vmem>> -> memref<4x1024xf32, #tpu.memory_space<vmem>>
    %dma_wait3A_169 = arith.constant 0 : i32
    %dma_wait3A_170 = arith.constant 0 : i32
    %dma_wait3A_171 = tpu.memref_slice %arg3[%dma_wait3A_169, %dma_wait3A_170] : memref<8192x1024xf32, #tpu.memory_space<hbm>> -> memref<4x1024xf32, #tpu.memory_space<hbm>>
    %dma_wait3A_172 = arith.constant 0 : i32
    %dma_wait3A_173 = arith.constant 0 : i32
    %dma_wait3A_174 = tpu.memref_slice %arg6[%dma_wait3A_164, %dma_wait3A_172, %dma_wait3A_173] : memref<8x4x1024xf32, #tpu.memory_space<vmem>> -> memref<1x4x1024xf32, #tpu.memory_space<vmem>>
    %dma_wait3A_175 = tpu.memref_squeeze %dma_wait3A_174 : memref<1x4x1024xf32, #tpu.memory_space<vmem>> -> memref<4x1024xf32, #tpu.memory_space<vmem>>
    %dma_wait3A_176 = arith.constant 0 : i32
    %dma_wait3A_177 = arith.constant 0 : i32
    %dma_wait3A_178 = tpu.memref_slice %arg3[%dma_wait3A_176, %dma_wait3A_177] : memref<8192x1024xf32, #tpu.memory_space<hbm>> -> memref<4x1024xf32, #tpu.memory_space<hbm>>
    tpu.wait_dma2 semaphore(%arg9 : memref<!tpu.dma_semaphore, #tpu.memory_space<semaphore_mem>>) src(%dma_wait3A_178 : memref<4x1024xf32, #tpu.memory_space<hbm>>) dst(%dma_wait3A_175 : memref<4x1024xf32, #tpu.memory_space<vmem>>)
    %add3A_179 = arith.constant 1000 : i32
    %add3A_180 = arith.addi %mul3A_2, %add3A_179 : i32
    %dma_start3A_181 = arith.constant 2 : i32
    %dma_start3A_182 = arith.constant 0 : i32
    %dma_start3A_183 = arith.constant 0 : i32
    %dma_start3A_184 = tpu.memref_slice %arg6[%dma_start3A_181, %dma_start3A_182, %dma_start3A_183] : memref<8x4x1024xf32, #tpu.memory_space<vmem>> -> memref<1x4x1024xf32, #tpu.memory_space<vmem>>
    %dma_start3A_185 = tpu.memref_squeeze %dma_start3A_184 : memref<1x4x1024xf32, #tpu.memory_space<vmem>> -> memref<4x1024xf32, #tpu.memory_space<vmem>>
    %dma_start3A_186 = arith.constant 0 : i32
    %dma_start3A_187 = tpu.memref_slice %arg4[%add3A_180, %dma_start3A_186] : memref<32768x1024xf32, #tpu.memory_space<hbm>> -> memref<4x1024xf32, #tpu.memory_space<hbm>>
    %dma_start3A_188 = arith.constant 0 : i32
    %dma_start3A_189 = tpu.memref_slice %arg4[%add3A_180, %dma_start3A_188] : memref<32768x1024xf32, #tpu.memory_space<hbm>> -> memref<4x1024xf32, #tpu.memory_space<hbm>>
    %dma_start3A_190 = arith.constant 0 : i32
    %dma_start3A_191 = arith.constant 0 : i32
    %dma_start3A_192 = tpu.memref_slice %arg6[%dma_start3A_181, %dma_start3A_190, %dma_start3A_191] : memref<8x4x1024xf32, #tpu.memory_space<vmem>> -> memref<1x4x1024xf32, #tpu.memory_space<vmem>>
    %dma_start3A_193 = tpu.memref_squeeze %dma_start3A_192 : memref<1x4x1024xf32, #tpu.memory_space<vmem>> -> memref<4x1024xf32, #tpu.memory_space<vmem>>
    tpu.enqueue_dma source(%dma_start3A_193 : memref<4x1024xf32, #tpu.memory_space<vmem>>) target(%dma_start3A_189 : memref<4x1024xf32, #tpu.memory_space<hbm>>) target_semaphore(%arg17 : memref<!tpu.dma_semaphore, #tpu.memory_space<semaphore_mem>>)
    %dma_wait3A_194 = arith.constant 3 : i32
    %dma_wait3A_195 = arith.constant 0 : i32
    %dma_wait3A_196 = arith.constant 0 : i32
    %dma_wait3A_197 = tpu.memref_slice %arg6[%dma_wait3A_194, %dma_wait3A_195, %dma_wait3A_196] : memref<8x4x1024xf32, #tpu.memory_space<vmem>> -> memref<1x4x1024xf32, #tpu.memory_space<vmem>>
    %dma_wait3A_198 = tpu.memref_squeeze %dma_wait3A_197 : memref<1x4x1024xf32, #tpu.memory_space<vmem>> -> memref<4x1024xf32, #tpu.memory_space<vmem>>
    %dma_wait3A_199 = arith.constant 0 : i32
    %dma_wait3A_200 = arith.constant 0 : i32
    %dma_wait3A_201 = tpu.memref_slice %arg3[%dma_wait3A_199, %dma_wait3A_200] : memref<8192x1024xf32, #tpu.memory_space<hbm>> -> memref<4x1024xf32, #tpu.memory_space<hbm>>
    %dma_wait3A_202 = arith.constant 0 : i32
    %dma_wait3A_203 = arith.constant 0 : i32
    %dma_wait3A_204 = tpu.memref_slice %arg6[%dma_wait3A_194, %dma_wait3A_202, %dma_wait3A_203] : memref<8x4x1024xf32, #tpu.memory_space<vmem>> -> memref<1x4x1024xf32, #tpu.memory_space<vmem>>
    %dma_wait3A_205 = tpu.memref_squeeze %dma_wait3A_204 : memref<1x4x1024xf32, #tpu.memory_space<vmem>> -> memref<4x1024xf32, #tpu.memory_space<vmem>>
    %dma_wait3A_206 = arith.constant 0 : i32
    %dma_wait3A_207 = arith.constant 0 : i32
    %dma_wait3A_208 = tpu.memref_slice %arg3[%dma_wait3A_206, %dma_wait3A_207] : memref<8192x1024xf32, #tpu.memory_space<hbm>> -> memref<4x1024xf32, #tpu.memory_space<hbm>>
    tpu.wait_dma2 semaphore(%arg10 : memref<!tpu.dma_semaphore, #tpu.memory_space<semaphore_mem>>) src(%dma_wait3A_208 : memref<4x1024xf32, #tpu.memory_space<hbm>>) dst(%dma_wait3A_205 : memref<4x1024xf32, #tpu.memory_space<vmem>>)
    %add3A_209 = arith.constant 1004 : i32
    %add3A_210 = arith.addi %mul3A_2, %add3A_209 : i32
    %dma_start3A_211 = arith.constant 3 : i32
    %dma_start3A_212 = arith.constant 0 : i32
    %dma_start3A_213 = arith.constant 0 : i32
    %dma_start3A_214 = tpu.memref_slice %arg6[%dma_start3A_211, %dma_start3A_212, %dma_start3A_213] : memref<8x4x1024xf32, #tpu.memory_space<vmem>> -> memref<1x4x1024xf32, #tpu.memory_space<vmem>>
    %dma_start3A_215 = tpu.memref_squeeze %dma_start3A_214 : memref<1x4x1024xf32, #tpu.memory_space<vmem>> -> memref<4x1024xf32, #tpu.memory_space<vmem>>
    %dma_start3A_216 = arith.constant 0 : i32
    %dma_start3A_217 = tpu.memref_slice %arg4[%add3A_210, %dma_start3A_216] : memref<32768x1024xf32, #tpu.memory_space<hbm>> -> memref<4x1024xf32, #tpu.memory_space<hbm>>
    %dma_start3A_218 = arith.constant 0 : i32
    %dma_start3A_219 = tpu.memref_slice %arg4[%add3A_210, %dma_start3A_218] : memref<32768x1024xf32, #tpu.memory_space<hbm>> -> memref<4x1024xf32, #tpu.memory_space<hbm>>
    %dma_start3A_220 = arith.constant 0 : i32
    %dma_start3A_221 = arith.constant 0 : i32
    %dma_start3A_222 = tpu.memref_slice %arg6[%dma_start3A_211, %dma_start3A_220, %dma_start3A_221] : memref<8x4x1024xf32, #tpu.memory_space<vmem>> -> memref<1x4x1024xf32, #tpu.memory_space<vmem>>
    %dma_start3A_223 = tpu.memref_squeeze %dma_start3A_222 : memref<1x4x1024xf32, #tpu.memory_space<vmem>> -> memref<4x1024xf32, #tpu.memory_space<vmem>>
    tpu.enqueue_dma source(%dma_start3A_223 : memref<4x1024xf32, #tpu.memory_space<vmem>>) target(%dma_start3A_219 : memref<4x1024xf32, #tpu.memory_space<hbm>>) target_semaphore(%arg18 : memref<!tpu.dma_semaphore, #tpu.memory_space<semaphore_mem>>)
    %dma_wait3A_224 = arith.constant 4 : i32
    %dma_wait3A_225 = arith.constant 0 : i32
    %dma_wait3A_226 = arith.constant 0 : i32
    %dma_wait3A_227 = tpu.memref_slice %arg6[%dma_wait3A_224, %dma_wait3A_225, %dma_wait3A_226] : memref<8x4x1024xf32, #tpu.memory_space<vmem>> -> memref<1x4x1024xf32, #tpu.memory_space<vmem>>
    %dma_wait3A_228 = tpu.memref_squeeze %dma_wait3A_227 : memref<1x4x1024xf32, #tpu.memory_space<vmem>> -> memref<4x1024xf32, #tpu.memory_space<vmem>>
    %dma_wait3A_229 = arith.constant 0 : i32
    %dma_wait3A_230 = arith.constant 0 : i32
    %dma_wait3A_231 = tpu.memref_slice %arg3[%dma_wait3A_229, %dma_wait3A_230] : memref<8192x1024xf32, #tpu.memory_space<hbm>> -> memref<4x1024xf32, #tpu.memory_space<hbm>>
    %dma_wait3A_232 = arith.constant 0 : i32
    %dma_wait3A_233 = arith.constant 0 : i32
    %dma_wait3A_234 = tpu.memref_slice %arg6[%dma_wait3A_224, %dma_wait3A_232, %dma_wait3A_233] : memref<8x4x1024xf32, #tpu.memory_space<vmem>> -> memref<1x4x1024xf32, #tpu.memory_space<vmem>>
    %dma_wait3A_235 = tpu.memref_squeeze %dma_wait3A_234 : memref<1x4x1024xf32, #tpu.memory_space<vmem>> -> memref<4x1024xf32, #tpu.memory_space<vmem>>
    %dma_wait3A_236 = arith.constant 0 : i32
    %dma_wait3A_237 = arith.constant 0 : i32
    %dma_wait3A_238 = tpu.memref_slice %arg3[%dma_wait3A_236, %dma_wait3A_237] : memref<8192x1024xf32, #tpu.memory_space<hbm>> -> memref<4x1024xf32, #tpu.memory_space<hbm>>
    tpu.wait_dma2 semaphore(%arg11 : memref<!tpu.dma_semaphore, #tpu.memory_space<semaphore_mem>>) src(%dma_wait3A_238 : memref<4x1024xf32, #tpu.memory_space<hbm>>) dst(%dma_wait3A_235 : memref<4x1024xf32, #tpu.memory_space<vmem>>)
    %add3A_239 = arith.constant 1008 : i32
    %add3A_240 = arith.addi %mul3A_2, %add3A_239 : i32
    %dma_start3A_241 = arith.constant 4 : i32
    %dma_start3A_242 = arith.constant 0 : i32
    %dma_start3A_243 = arith.constant 0 : i32
    %dma_start3A_244 = tpu.memref_slice %arg6[%dma_start3A_241, %dma_start3A_242, %dma_start3A_243] : memref<8x4x1024xf32, #tpu.memory_space<vmem>> -> memref<1x4x1024xf32, #tpu.memory_space<vmem>>
    %dma_start3A_245 = tpu.memref_squeeze %dma_start3A_244 : memref<1x4x1024xf32, #tpu.memory_space<vmem>> -> memref<4x1024xf32, #tpu.memory_space<vmem>>
    %dma_start3A_246 = arith.constant 0 : i32
    %dma_start3A_247 = tpu.memref_slice %arg4[%add3A_240, %dma_start3A_246] : memref<32768x1024xf32, #tpu.memory_space<hbm>> -> memref<4x1024xf32, #tpu.memory_space<hbm>>
    %dma_start3A_248 = arith.constant 0 : i32
    %dma_start3A_249 = tpu.memref_slice %arg4[%add3A_240, %dma_start3A_248] : memref<32768x1024xf32, #tpu.memory_space<hbm>> -> memref<4x1024xf32, #tpu.memory_space<hbm>>
    %dma_start3A_250 = arith.constant 0 : i32
    %dma_start3A_251 = arith.constant 0 : i32
    %dma_start3A_252 = tpu.memref_slice %arg6[%dma_start3A_241, %dma_start3A_250, %dma_start3A_251] : memref<8x4x1024xf32, #tpu.memory_space<vmem>> -> memref<1x4x1024xf32, #tpu.memory_space<vmem>>
    %dma_start3A_253 = tpu.memref_squeeze %dma_start3A_252 : memref<1x4x1024xf32, #tpu.memory_space<vmem>> -> memref<4x1024xf32, #tpu.memory_space<vmem>>
    tpu.enqueue_dma source(%dma_start3A_253 : memref<4x1024xf32, #tpu.memory_space<vmem>>) target(%dma_start3A_249 : memref<4x1024xf32, #tpu.memory_space<hbm>>) target_semaphore(%arg19 : memref<!tpu.dma_semaphore, #tpu.memory_space<semaphore_mem>>)
    %dma_wait3A_254 = arith.constant 5 : i32
    %dma_wait3A_255 = arith.constant 0 : i32
    %dma_wait3A_256 = arith.constant 0 : i32
    %dma_wait3A_257 = tpu.memref_slice %arg6[%dma_wait3A_254, %dma_wait3A_255, %dma_wait3A_256] : memref<8x4x1024xf32, #tpu.memory_space<vmem>> -> memref<1x4x1024xf32, #tpu.memory_space<vmem>>
    %dma_wait3A_258 = tpu.memref_squeeze %dma_wait3A_257 : memref<1x4x1024xf32, #tpu.memory_space<vmem>> -> memref<4x1024xf32, #tpu.memory_space<vmem>>
    %dma_wait3A_259 = arith.constant 0 : i32
    %dma_wait3A_260 = arith.constant 0 : i32
    %dma_wait3A_261 = tpu.memref_slice %arg3[%dma_wait3A_259, %dma_wait3A_260] : memref<8192x1024xf32, #tpu.memory_space<hbm>> -> memref<4x1024xf32, #tpu.memory_space<hbm>>
    %dma_wait3A_262 = arith.constant 0 : i32
    %dma_wait3A_263 = arith.constant 0 : i32
    %dma_wait3A_264 = tpu.memref_slice %arg6[%dma_wait3A_254, %dma_wait3A_262, %dma_wait3A_263] : memref<8x4x1024xf32, #tpu.memory_space<vmem>> -> memref<1x4x1024xf32, #tpu.memory_space<vmem>>
    %dma_wait3A_265 = tpu.memref_squeeze %dma_wait3A_264 : memref<1x4x1024xf32, #tpu.memory_space<vmem>> -> memref<4x1024xf32, #tpu.memory_space<vmem>>
    %dma_wait3A_266 = arith.constant 0 : i32
    %dma_wait3A_267 = arith.constant 0 : i32
    %dma_wait3A_268 = tpu.memref_slice %arg3[%dma_wait3A_266, %dma_wait3A_267] : memref<8192x1024xf32, #tpu.memory_space<hbm>> -> memref<4x1024xf32, #tpu.memory_space<hbm>>
    tpu.wait_dma2 semaphore(%arg12 : memref<!tpu.dma_semaphore, #tpu.memory_space<semaphore_mem>>) src(%dma_wait3A_268 : memref<4x1024xf32, #tpu.memory_space<hbm>>) dst(%dma_wait3A_265 : memref<4x1024xf32, #tpu.memory_space<vmem>>)
    %add3A_269 = arith.constant 1012 : i32
    %add3A_270 = arith.addi %mul3A_2, %add3A_269 : i32
    %dma_start3A_271 = arith.constant 5 : i32
    %dma_start3A_272 = arith.constant 0 : i32
    %dma_start3A_273 = arith.constant 0 : i32
    %dma_start3A_274 = tpu.memref_slice %arg6[%dma_start3A_271, %dma_start3A_272, %dma_start3A_273] : memref<8x4x1024xf32, #tpu.memory_space<vmem>> -> memref<1x4x1024xf32, #tpu.memory_space<vmem>>
    %dma_start3A_275 = tpu.memref_squeeze %dma_start3A_274 : memref<1x4x1024xf32, #tpu.memory_space<vmem>> -> memref<4x1024xf32, #tpu.memory_space<vmem>>
    %dma_start3A_276 = arith.constant 0 : i32
    %dma_start3A_277 = tpu.memref_slice %arg4[%add3A_270, %dma_start3A_276] : memref<32768x1024xf32, #tpu.memory_space<hbm>> -> memref<4x1024xf32, #tpu.memory_space<hbm>>
    %dma_start3A_278 = arith.constant 0 : i32
    %dma_start3A_279 = tpu.memref_slice %arg4[%add3A_270, %dma_start3A_278] : memref<32768x1024xf32, #tpu.memory_space<hbm>> -> memref<4x1024xf32, #tpu.memory_space<hbm>>
    %dma_start3A_280 = arith.constant 0 : i32
    %dma_start3A_281 = arith.constant 0 : i32
    %dma_start3A_282 = tpu.memref_slice %arg6[%dma_start3A_271, %dma_start3A_280, %dma_start3A_281] : memref<8x4x1024xf32, #tpu.memory_space<vmem>> -> memref<1x4x1024xf32, #tpu.memory_space<vmem>>
    %dma_start3A_283 = tpu.memref_squeeze %dma_start3A_282 : memref<1x4x1024xf32, #tpu.memory_space<vmem>> -> memref<4x1024xf32, #tpu.memory_space<vmem>>
    tpu.enqueue_dma source(%dma_start3A_283 : memref<4x1024xf32, #tpu.memory_space<vmem>>) target(%dma_start3A_279 : memref<4x1024xf32, #tpu.memory_space<hbm>>) target_semaphore(%arg20 : memref<!tpu.dma_semaphore, #tpu.memory_space<semaphore_mem>>)
    %dma_wait3A_284 = arith.constant 6 : i32
    %dma_wait3A_285 = arith.constant 0 : i32
    %dma_wait3A_286 = arith.constant 0 : i32
    %dma_wait3A_287 = tpu.memref_slice %arg6[%dma_wait3A_284, %dma_wait3A_285, %dma_wait3A_286] : memref<8x4x1024xf32, #tpu.memory_space<vmem>> -> memref<1x4x1024xf32, #tpu.memory_space<vmem>>
    %dma_wait3A_288 = tpu.memref_squeeze %dma_wait3A_287 : memref<1x4x1024xf32, #tpu.memory_space<vmem>> -> memref<4x1024xf32, #tpu.memory_space<vmem>>
    %dma_wait3A_289 = arith.constant 0 : i32
    %dma_wait3A_290 = arith.constant 0 : i32
    %dma_wait3A_291 = tpu.memref_slice %arg3[%dma_wait3A_289, %dma_wait3A_290] : memref<8192x1024xf32, #tpu.memory_space<hbm>> -> memref<4x1024xf32, #tpu.memory_space<hbm>>
    %dma_wait3A_292 = arith.constant 0 : i32
    %dma_wait3A_293 = arith.constant 0 : i32
    %dma_wait3A_294 = tpu.memref_slice %arg6[%dma_wait3A_284, %dma_wait3A_292, %dma_wait3A_293] : memref<8x4x1024xf32, #tpu.memory_space<vmem>> -> memref<1x4x1024xf32, #tpu.memory_space<vmem>>
    %dma_wait3A_295 = tpu.memref_squeeze %dma_wait3A_294 : memref<1x4x1024xf32, #tpu.memory_space<vmem>> -> memref<4x1024xf32, #tpu.memory_space<vmem>>
    %dma_wait3A_296 = arith.constant 0 : i32
    %dma_wait3A_297 = arith.constant 0 : i32
    %dma_wait3A_298 = tpu.memref_slice %arg3[%dma_wait3A_296, %dma_wait3A_297] : memref<8192x1024xf32, #tpu.memory_space<hbm>> -> memref<4x1024xf32, #tpu.memory_space<hbm>>
    tpu.wait_dma2 semaphore(%arg13 : memref<!tpu.dma_semaphore, #tpu.memory_space<semaphore_mem>>) src(%dma_wait3A_298 : memref<4x1024xf32, #tpu.memory_space<hbm>>) dst(%dma_wait3A_295 : memref<4x1024xf32, #tpu.memory_space<vmem>>)
    %add3A_299 = arith.constant 1016 : i32
    %add3A_300 = arith.addi %mul3A_2, %add3A_299 : i32
    %dma_start3A_301 = arith.constant 6 : i32
    %dma_start3A_302 = arith.constant 0 : i32
    %dma_start3A_303 = arith.constant 0 : i32
    %dma_start3A_304 = tpu.memref_slice %arg6[%dma_start3A_301, %dma_start3A_302, %dma_start3A_303] : memref<8x4x1024xf32, #tpu.memory_space<vmem>> -> memref<1x4x1024xf32, #tpu.memory_space<vmem>>
    %dma_start3A_305 = tpu.memref_squeeze %dma_start3A_304 : memref<1x4x1024xf32, #tpu.memory_space<vmem>> -> memref<4x1024xf32, #tpu.memory_space<vmem>>
    %dma_start3A_306 = arith.constant 0 : i32
    %dma_start3A_307 = tpu.memref_slice %arg4[%add3A_300, %dma_start3A_306] : memref<32768x1024xf32, #tpu.memory_space<hbm>> -> memref<4x1024xf32, #tpu.memory_space<hbm>>
    %dma_start3A_308 = arith.constant 0 : i32
    %dma_start3A_309 = tpu.memref_slice %arg4[%add3A_300, %dma_start3A_308] : memref<32768x1024xf32, #tpu.memory_space<hbm>> -> memref<4x1024xf32, #tpu.memory_space<hbm>>
    %dma_start3A_310 = arith.constant 0 : i32
    %dma_start3A_311 = arith.constant 0 : i32
    %dma_start3A_312 = tpu.memref_slice %arg6[%dma_start3A_301, %dma_start3A_310, %dma_start3A_311] : memref<8x4x1024xf32, #tpu.memory_space<vmem>> -> memref<1x4x1024xf32, #tpu.memory_space<vmem>>
    %dma_start3A_313 = tpu.memref_squeeze %dma_start3A_312 : memref<1x4x1024xf32, #tpu.memory_space<vmem>> -> memref<4x1024xf32, #tpu.memory_space<vmem>>
    tpu.enqueue_dma source(%dma_start3A_313 : memref<4x1024xf32, #tpu.memory_space<vmem>>) target(%dma_start3A_309 : memref<4x1024xf32, #tpu.memory_space<hbm>>) target_semaphore(%arg21 : memref<!tpu.dma_semaphore, #tpu.memory_space<semaphore_mem>>)
    %dma_wait3A_314 = arith.constant 7 : i32
    %dma_wait3A_315 = arith.constant 0 : i32
    %dma_wait3A_316 = arith.constant 0 : i32
    %dma_wait3A_317 = tpu.memref_slice %arg6[%dma_wait3A_314, %dma_wait3A_315, %dma_wait3A_316] : memref<8x4x1024xf32, #tpu.memory_space<vmem>> -> memref<1x4x1024xf32, #tpu.memory_space<vmem>>
    %dma_wait3A_318 = tpu.memref_squeeze %dma_wait3A_317 : memref<1x4x1024xf32, #tpu.memory_space<vmem>> -> memref<4x1024xf32, #tpu.memory_space<vmem>>
    %dma_wait3A_319 = arith.constant 0 : i32
    %dma_wait3A_320 = arith.constant 0 : i32
    %dma_wait3A_321 = tpu.memref_slice %arg3[%dma_wait3A_319, %dma_wait3A_320] : memref<8192x1024xf32, #tpu.memory_space<hbm>> -> memref<4x1024xf32, #tpu.memory_space<hbm>>
    %dma_wait3A_322 = arith.constant 0 : i32
    %dma_wait3A_323 = arith.constant 0 : i32
    %dma_wait3A_324 = tpu.memref_slice %arg6[%dma_wait3A_314, %dma_wait3A_322, %dma_wait3A_323] : memref<8x4x1024xf32, #tpu.memory_space<vmem>> -> memref<1x4x1024xf32, #tpu.memory_space<vmem>>
    %dma_wait3A_325 = tpu.memref_squeeze %dma_wait3A_324 : memref<1x4x1024xf32, #tpu.memory_space<vmem>> -> memref<4x1024xf32, #tpu.memory_space<vmem>>
    %dma_wait3A_326 = arith.constant 0 : i32
    %dma_wait3A_327 = arith.constant 0 : i32
    %dma_wait3A_328 = tpu.memref_slice %arg3[%dma_wait3A_326, %dma_wait3A_327] : memref<8192x1024xf32, #tpu.memory_space<hbm>> -> memref<4x1024xf32, #tpu.memory_space<hbm>>
    tpu.wait_dma2 semaphore(%arg14 : memref<!tpu.dma_semaphore, #tpu.memory_space<semaphore_mem>>) src(%dma_wait3A_328 : memref<4x1024xf32, #tpu.memory_space<hbm>>) dst(%dma_wait3A_325 : memref<4x1024xf32, #tpu.memory_space<vmem>>)
    %add3A_329 = arith.constant 1020 : i32
    %add3A_330 = arith.addi %mul3A_2, %add3A_329 : i32
    %dma_start3A_331 = arith.constant 7 : i32
    %dma_start3A_332 = arith.constant 0 : i32
    %dma_start3A_333 = arith.constant 0 : i32
    %dma_start3A_334 = tpu.memref_slice %arg6[%dma_start3A_331, %dma_start3A_332, %dma_start3A_333] : memref<8x4x1024xf32, #tpu.memory_space<vmem>> -> memref<1x4x1024xf32, #tpu.memory_space<vmem>>
    %dma_start3A_335 = tpu.memref_squeeze %dma_start3A_334 : memref<1x4x1024xf32, #tpu.memory_space<vmem>> -> memref<4x1024xf32, #tpu.memory_space<vmem>>
    %dma_start3A_336 = arith.constant 0 : i32
    %dma_start3A_337 = tpu.memref_slice %arg4[%add3A_330, %dma_start3A_336] : memref<32768x1024xf32, #tpu.memory_space<hbm>> -> memref<4x1024xf32, #tpu.memory_space<hbm>>
    %dma_start3A_338 = arith.constant 0 : i32
    %dma_start3A_339 = tpu.memref_slice %arg4[%add3A_330, %dma_start3A_338] : memref<32768x1024xf32, #tpu.memory_space<hbm>> -> memref<4x1024xf32, #tpu.memory_space<hbm>>
    %dma_start3A_340 = arith.constant 0 : i32
    %dma_start3A_341 = arith.constant 0 : i32
    %dma_start3A_342 = tpu.memref_slice %arg6[%dma_start3A_331, %dma_start3A_340, %dma_start3A_341] : memref<8x4x1024xf32, #tpu.memory_space<vmem>> -> memref<1x4x1024xf32, #tpu.memory_space<vmem>>
    %dma_start3A_343 = tpu.memref_squeeze %dma_start3A_342 : memref<1x4x1024xf32, #tpu.memory_space<vmem>> -> memref<4x1024xf32, #tpu.memory_space<vmem>>
    tpu.enqueue_dma source(%dma_start3A_343 : memref<4x1024xf32, #tpu.memory_space<vmem>>) target(%dma_start3A_339 : memref<4x1024xf32, #tpu.memory_space<hbm>>) target_semaphore(%arg22 : memref<!tpu.dma_semaphore, #tpu.memory_space<semaphore_mem>>)
    %dma_wait3A_344 = arith.constant 0 : i32
    %dma_wait3A_345 = arith.constant 0 : i32
    %dma_wait3A_346 = arith.constant 0 : i32
    %dma_wait3A_347 = tpu.memref_slice %arg6[%dma_wait3A_344, %dma_wait3A_345, %dma_wait3A_346] : memref<8x4x1024xf32, #tpu.memory_space<vmem>> -> memref<1x4x1024xf32, #tpu.memory_space<vmem>>
    %dma_wait3A_348 = tpu.memref_squeeze %dma_wait3A_347 : memref<1x4x1024xf32, #tpu.memory_space<vmem>> -> memref<4x1024xf32, #tpu.memory_space<vmem>>
    %dma_wait3A_349 = arith.constant 0 : i32
    %dma_wait3A_350 = arith.constant 0 : i32
    %dma_wait3A_351 = tpu.memref_slice %arg4[%dma_wait3A_349, %dma_wait3A_350] : memref<32768x1024xf32, #tpu.memory_space<hbm>> -> memref<4x1024xf32, #tpu.memory_space<hbm>>
    %dma_wait3A_352 = arith.constant 0 : i32
    %dma_wait3A_353 = arith.constant 0 : i32
    %dma_wait3A_354 = tpu.memref_slice %arg4[%dma_wait3A_352, %dma_wait3A_353] : memref<32768x1024xf32, #tpu.memory_space<hbm>> -> memref<4x1024xf32, #tpu.memory_space<hbm>>
    %dma_wait3A_355 = arith.constant 0 : i32
    %dma_wait3A_356 = arith.constant 0 : i32
    %dma_wait3A_357 = tpu.memref_slice %arg6[%dma_wait3A_344, %dma_wait3A_355, %dma_wait3A_356] : memref<8x4x1024xf32, #tpu.memory_space<vmem>> -> memref<1x4x1024xf32, #tpu.memory_space<vmem>>
    %dma_wait3A_358 = tpu.memref_squeeze %dma_wait3A_357 : memref<1x4x1024xf32, #tpu.memory_space<vmem>> -> memref<4x1024xf32, #tpu.memory_space<vmem>>
    tpu.wait_dma2 semaphore(%arg15 : memref<!tpu.dma_semaphore, #tpu.memory_space<semaphore_mem>>) src(%dma_wait3A_358 : memref<4x1024xf32, #tpu.memory_space<vmem>>) dst(%dma_wait3A_354 : memref<4x1024xf32, #tpu.memory_space<hbm>>)
    %dma_wait3A_359 = arith.constant 1 : i32
    %dma_wait3A_360 = arith.constant 0 : i32
    %dma_wait3A_361 = arith.constant 0 : i32
    %dma_wait3A_362 = tpu.memref_slice %arg6[%dma_wait3A_359, %dma_wait3A_360, %dma_wait3A_361] : memref<8x4x1024xf32, #tpu.memory_space<vmem>> -> memref<1x4x1024xf32, #tpu.memory_space<vmem>>
    %dma_wait3A_363 = tpu.memref_squeeze %dma_wait3A_362 : memref<1x4x1024xf32, #tpu.memory_space<vmem>> -> memref<4x1024xf32, #tpu.memory_space<vmem>>
    %dma_wait3A_364 = arith.constant 0 : i32
    %dma_wait3A_365 = arith.constant 0 : i32
    %dma_wait3A_366 = tpu.memref_slice %arg4[%dma_wait3A_364, %dma_wait3A_365] : memref<32768x1024xf32, #tpu.memory_space<hbm>> -> memref<4x1024xf32, #tpu.memory_space<hbm>>
    %dma_wait3A_367 = arith.constant 0 : i32
    %dma_wait3A_368 = arith.constant 0 : i32
    %dma_wait3A_369 = tpu.memref_slice %arg4[%dma_wait3A_367, %dma_wait3A_368] : memref<32768x1024xf32, #tpu.memory_space<hbm>> -> memref<4x1024xf32, #tpu.memory_space<hbm>>
    %dma_wait3A_370 = arith.constant 0 : i32
    %dma_wait3A_371 = arith.constant 0 : i32
    %dma_wait3A_372 = tpu.memref_slice %arg6[%dma_wait3A_359, %dma_wait3A_370, %dma_wait3A_371] : memref<8x4x1024xf32, #tpu.memory_space<vmem>> -> memref<1x4x1024xf32, #tpu.memory_space<vmem>>
    %dma_wait3A_373 = tpu.memref_squeeze %dma_wait3A_372 : memref<1x4x1024xf32, #tpu.memory_space<vmem>> -> memref<4x1024xf32, #tpu.memory_space<vmem>>
    tpu.wait_dma2 semaphore(%arg16 : memref<!tpu.dma_semaphore, #tpu.memory_space<semaphore_mem>>) src(%dma_wait3A_373 : memref<4x1024xf32, #tpu.memory_space<vmem>>) dst(%dma_wait3A_369 : memref<4x1024xf32, #tpu.memory_space<hbm>>)
    %dma_wait3A_374 = arith.constant 2 : i32
    %dma_wait3A_375 = arith.constant 0 : i32
    %dma_wait3A_376 = arith.constant 0 : i32
    %dma_wait3A_377 = tpu.memref_slice %arg6[%dma_wait3A_374, %dma_wait3A_375, %dma_wait3A_376] : memref<8x4x1024xf32, #tpu.memory_space<vmem>> -> memref<1x4x1024xf32, #tpu.memory_space<vmem>>
    %dma_wait3A_378 = tpu.memref_squeeze %dma_wait3A_377 : memref<1x4x1024xf32, #tpu.memory_space<vmem>> -> memref<4x1024xf32, #tpu.memory_space<vmem>>
    %dma_wait3A_379 = arith.constant 0 : i32
    %dma_wait3A_380 = arith.constant 0 : i32
    %dma_wait3A_381 = tpu.memref_slice %arg4[%dma_wait3A_379, %dma_wait3A_380] : memref<32768x1024xf32, #tpu.memory_space<hbm>> -> memref<4x1024xf32, #tpu.memory_space<hbm>>
    %dma_wait3A_382 = arith.constant 0 : i32
    %dma_wait3A_383 = arith.constant 0 : i32
    %dma_wait3A_384 = tpu.memref_slice %arg4[%dma_wait3A_382, %dma_wait3A_383] : memref<32768x1024xf32, #tpu.memory_space<hbm>> -> memref<4x1024xf32, #tpu.memory_space<hbm>>
    %dma_wait3A_385 = arith.constant 0 : i32
    %dma_wait3A_386 = arith.constant 0 : i32
    %dma_wait3A_387 = tpu.memref_slice %arg6[%dma_wait3A_374, %dma_wait3A_385, %dma_wait3A_386] : memref<8x4x1024xf32, #tpu.memory_space<vmem>> -> memref<1x4x1024xf32, #tpu.memory_space<vmem>>
    %dma_wait3A_388 = tpu.memref_squeeze %dma_wait3A_387 : memref<1x4x1024xf32, #tpu.memory_space<vmem>> -> memref<4x1024xf32, #tpu.memory_space<vmem>>
    tpu.wait_dma2 semaphore(%arg17 : memref<!tpu.dma_semaphore, #tpu.memory_space<semaphore_mem>>) src(%dma_wait3A_388 : memref<4x1024xf32, #tpu.memory_space<vmem>>) dst(%dma_wait3A_384 : memref<4x1024xf32, #tpu.memory_space<hbm>>)
    %dma_wait3A_389 = arith.constant 3 : i32
    %dma_wait3A_390 = arith.constant 0 : i32
    %dma_wait3A_391 = arith.constant 0 : i32
    %dma_wait3A_392 = tpu.memref_slice %arg6[%dma_wait3A_389, %dma_wait3A_390, %dma_wait3A_391] : memref<8x4x1024xf32, #tpu.memory_space<vmem>> -> memref<1x4x1024xf32, #tpu.memory_space<vmem>>
    %dma_wait3A_393 = tpu.memref_squeeze %dma_wait3A_392 : memref<1x4x1024xf32, #tpu.memory_space<vmem>> -> memref<4x1024xf32, #tpu.memory_space<vmem>>
    %dma_wait3A_394 = arith.constant 0 : i32
    %dma_wait3A_395 = arith.constant 0 : i32
    %dma_wait3A_396 = tpu.memref_slice %arg4[%dma_wait3A_394, %dma_wait3A_395] : memref<32768x1024xf32, #tpu.memory_space<hbm>> -> memref<4x1024xf32, #tpu.memory_space<hbm>>
    %dma_wait3A_397 = arith.constant 0 : i32
    %dma_wait3A_398 = arith.constant 0 : i32
    %dma_wait3A_399 = tpu.memref_slice %arg4[%dma_wait3A_397, %dma_wait3A_398] : memref<32768x1024xf32, #tpu.memory_space<hbm>> -> memref<4x1024xf32, #tpu.memory_space<hbm>>
    %dma_wait3A_400 = arith.constant 0 : i32
    %dma_wait3A_401 = arith.constant 0 : i32
    %dma_wait3A_402 = tpu.memref_slice %arg6[%dma_wait3A_389, %dma_wait3A_400, %dma_wait3A_401] : memref<8x4x1024xf32, #tpu.memory_space<vmem>> -> memref<1x4x1024xf32, #tpu.memory_space<vmem>>
    %dma_wait3A_403 = tpu.memref_squeeze %dma_wait3A_402 : memref<1x4x1024xf32, #tpu.memory_space<vmem>> -> memref<4x1024xf32, #tpu.memory_space<vmem>>
    tpu.wait_dma2 semaphore(%arg18 : memref<!tpu.dma_semaphore, #tpu.memory_space<semaphore_mem>>) src(%dma_wait3A_403 : memref<4x1024xf32, #tpu.memory_space<vmem>>) dst(%dma_wait3A_399 : memref<4x1024xf32, #tpu.memory_space<hbm>>)
    %dma_wait3A_404 = arith.constant 4 : i32
    %dma_wait3A_405 = arith.constant 0 : i32
    %dma_wait3A_406 = arith.constant 0 : i32
    %dma_wait3A_407 = tpu.memref_slice %arg6[%dma_wait3A_404, %dma_wait3A_405, %dma_wait3A_406] : memref<8x4x1024xf32, #tpu.memory_space<vmem>> -> memref<1x4x1024xf32, #tpu.memory_space<vmem>>
    %dma_wait3A_408 = tpu.memref_squeeze %dma_wait3A_407 : memref<1x4x1024xf32, #tpu.memory_space<vmem>> -> memref<4x1024xf32, #tpu.memory_space<vmem>>
    %dma_wait3A_409 = arith.constant 0 : i32
    %dma_wait3A_410 = arith.constant 0 : i32
    %dma_wait3A_411 = tpu.memref_slice %arg4[%dma_wait3A_409, %dma_wait3A_410] : memref<32768x1024xf32, #tpu.memory_space<hbm>> -> memref<4x1024xf32, #tpu.memory_space<hbm>>
    %dma_wait3A_412 = arith.constant 0 : i32
    %dma_wait3A_413 = arith.constant 0 : i32
    %dma_wait3A_414 = tpu.memref_slice %arg4[%dma_wait3A_412, %dma_wait3A_413] : memref<32768x1024xf32, #tpu.memory_space<hbm>> -> memref<4x1024xf32, #tpu.memory_space<hbm>>
    %dma_wait3A_415 = arith.constant 0 : i32
    %dma_wait3A_416 = arith.constant 0 : i32
    %dma_wait3A_417 = tpu.memref_slice %arg6[%dma_wait3A_404, %dma_wait3A_415, %dma_wait3A_416] : memref<8x4x1024xf32, #tpu.memory_space<vmem>> -> memref<1x4x1024xf32, #tpu.memory_space<vmem>>
    %dma_wait3A_418 = tpu.memref_squeeze %dma_wait3A_417 : memref<1x4x1024xf32, #tpu.memory_space<vmem>> -> memref<4x1024xf32, #tpu.memory_space<vmem>>
    tpu.wait_dma2 semaphore(%arg19 : memref<!tpu.dma_semaphore, #tpu.memory_space<semaphore_mem>>) src(%dma_wait3A_418 : memref<4x1024xf32, #tpu.memory_space<vmem>>) dst(%dma_wait3A_414 : memref<4x1024xf32, #tpu.memory_space<hbm>>)
    %dma_wait3A_419 = arith.constant 5 : i32
    %dma_wait3A_420 = arith.constant 0 : i32
    %dma_wait3A_421 = arith.constant 0 : i32
    %dma_wait3A_422 = tpu.memref_slice %arg6[%dma_wait3A_419, %dma_wait3A_420, %dma_wait3A_421] : memref<8x4x1024xf32, #tpu.memory_space<vmem>> -> memref<1x4x1024xf32, #tpu.memory_space<vmem>>
    %dma_wait3A_423 = tpu.memref_squeeze %dma_wait3A_422 : memref<1x4x1024xf32, #tpu.memory_space<vmem>> -> memref<4x1024xf32, #tpu.memory_space<vmem>>
    %dma_wait3A_424 = arith.constant 0 : i32
    %dma_wait3A_425 = arith.constant 0 : i32
    %dma_wait3A_426 = tpu.memref_slice %arg4[%dma_wait3A_424, %dma_wait3A_425] : memref<32768x1024xf32, #tpu.memory_space<hbm>> -> memref<4x1024xf32, #tpu.memory_space<hbm>>
    %dma_wait3A_427 = arith.constant 0 : i32
    %dma_wait3A_428 = arith.constant 0 : i32
    %dma_wait3A_429 = tpu.memref_slice %arg4[%dma_wait3A_427, %dma_wait3A_428] : memref<32768x1024xf32, #tpu.memory_space<hbm>> -> memref<4x1024xf32, #tpu.memory_space<hbm>>
    %dma_wait3A_430 = arith.constant 0 : i32
    %dma_wait3A_431 = arith.constant 0 : i32
    %dma_wait3A_432 = tpu.memref_slice %arg6[%dma_wait3A_419, %dma_wait3A_430, %dma_wait3A_431] : memref<8x4x1024xf32, #tpu.memory_space<vmem>> -> memref<1x4x1024xf32, #tpu.memory_space<vmem>>
    %dma_wait3A_433 = tpu.memref_squeeze %dma_wait3A_432 : memref<1x4x1024xf32, #tpu.memory_space<vmem>> -> memref<4x1024xf32, #tpu.memory_space<vmem>>
    tpu.wait_dma2 semaphore(%arg20 : memref<!tpu.dma_semaphore, #tpu.memory_space<semaphore_mem>>) src(%dma_wait3A_433 : memref<4x1024xf32, #tpu.memory_space<vmem>>) dst(%dma_wait3A_429 : memref<4x1024xf32, #tpu.memory_space<hbm>>)
    %dma_wait3A_434 = arith.constant 6 : i32
    %dma_wait3A_435 = arith.constant 0 : i32
    %dma_wait3A_436 = arith.constant 0 : i32
    %dma_wait3A_437 = tpu.memref_slice %arg6[%dma_wait3A_434, %dma_wait3A_435, %dma_wait3A_436] : memref<8x4x1024xf32, #tpu.memory_space<vmem>> -> memref<1x4x1024xf32, #tpu.memory_space<vmem>>
    %dma_wait3A_438 = tpu.memref_squeeze %dma_wait3A_437 : memref<1x4x1024xf32, #tpu.memory_space<vmem>> -> memref<4x1024xf32, #tpu.memory_space<vmem>>
    %dma_wait3A_439 = arith.constant 0 : i32
    %dma_wait3A_440 = arith.constant 0 : i32
    %dma_wait3A_441 = tpu.memref_slice %arg4[%dma_wait3A_439, %dma_wait3A_440] : memref<32768x1024xf32, #tpu.memory_space<hbm>> -> memref<4x1024xf32, #tpu.memory_space<hbm>>
    %dma_wait3A_442 = arith.constant 0 : i32
    %dma_wait3A_443 = arith.constant 0 : i32
    %dma_wait3A_444 = tpu.memref_slice %arg4[%dma_wait3A_442, %dma_wait3A_443] : memref<32768x1024xf32, #tpu.memory_space<hbm>> -> memref<4x1024xf32, #tpu.memory_space<hbm>>
    %dma_wait3A_445 = arith.constant 0 : i32
    %dma_wait3A_446 = arith.constant 0 : i32
    %dma_wait3A_447 = tpu.memref_slice %arg6[%dma_wait3A_434, %dma_wait3A_445, %dma_wait3A_446] : memref<8x4x1024xf32, #tpu.memory_space<vmem>> -> memref<1x4x1024xf32, #tpu.memory_space<vmem>>
    %dma_wait3A_448 = tpu.memref_squeeze %dma_wait3A_447 : memref<1x4x1024xf32, #tpu.memory_space<vmem>> -> memref<4x1024xf32, #tpu.memory_space<vmem>>
    tpu.wait_dma2 semaphore(%arg21 : memref<!tpu.dma_semaphore, #tpu.memory_space<semaphore_mem>>) src(%dma_wait3A_448 : memref<4x1024xf32, #tpu.memory_space<vmem>>) dst(%dma_wait3A_444 : memref<4x1024xf32, #tpu.memory_space<hbm>>)
    %dma_wait3A_449 = arith.constant 7 : i32
    %dma_wait3A_450 = arith.constant 0 : i32
    %dma_wait3A_451 = arith.constant 0 : i32
    %dma_wait3A_452 = tpu.memref_slice %arg6[%dma_wait3A_449, %dma_wait3A_450, %dma_wait3A_451] : memref<8x4x1024xf32, #tpu.memory_space<vmem>> -> memref<1x4x1024xf32, #tpu.memory_space<vmem>>
    %dma_wait3A_453 = tpu.memref_squeeze %dma_wait3A_452 : memref<1x4x1024xf32, #tpu.memory_space<vmem>> -> memref<4x1024xf32, #tpu.memory_space<vmem>>
    %dma_wait3A_454 = arith.constant 0 : i32
    %dma_wait3A_455 = arith.constant 0 : i32
    %dma_wait3A_456 = tpu.memref_slice %arg4[%dma_wait3A_454, %dma_wait3A_455] : memref<32768x1024xf32, #tpu.memory_space<hbm>> -> memref<4x1024xf32, #tpu.memory_space<hbm>>
    %dma_wait3A_457 = arith.constant 0 : i32
    %dma_wait3A_458 = arith.constant 0 : i32
    %dma_wait3A_459 = tpu.memref_slice %arg4[%dma_wait3A_457, %dma_wait3A_458] : memref<32768x1024xf32, #tpu.memory_space<hbm>> -> memref<4x1024xf32, #tpu.memory_space<hbm>>
    %dma_wait3A_460 = arith.constant 0 : i32
    %dma_wait3A_461 = arith.constant 0 : i32
    %dma_wait3A_462 = tpu.memref_slice %arg6[%dma_wait3A_449, %dma_wait3A_460, %dma_wait3A_461] : memref<8x4x1024xf32, #tpu.memory_space<vmem>> -> memref<1x4x1024xf32, #tpu.memory_space<vmem>>
    %dma_wait3A_463 = tpu.memref_squeeze %dma_wait3A_462 : memref<1x4x1024xf32, #tpu.memory_space<vmem>> -> memref<4x1024xf32, #tpu.memory_space<vmem>>
    tpu.wait_dma2 semaphore(%arg22 : memref<!tpu.dma_semaphore, #tpu.memory_space<semaphore_mem>>) src(%dma_wait3A_463 : memref<4x1024xf32, #tpu.memory_space<vmem>>) dst(%dma_wait3A_459 : memref<4x1024xf32, #tpu.memory_space<hbm>>)
    return
  }
}

</mosaic_0001>

<sc_bundles>
// kernel: kernel.3.cloned.1.call-start
scs
__scs_entry_jumppad:
0x0: {  	(pc) =	sbr.rel $0x88, $3  }
0x1: {  	(tag) =	ssettag $0x0;
	lr =	simm.s32 $0x1  }
0x2: {  	[smem:$0x3F9F] =	sst lr;
	_ =	strace $0xD0000000  }
0x3: {  	_ = 	snop  }
0x4: {  	_ = 	snop  }
0x5: {  	_ = 	snop  }
0x6: {  	_ = 	snop  }
0x7: {  	_ = 	snop  }
__scs_overlays_trampoline_lowered:
0x8: {  	[smem:$0x3FAE] =	sst s0  }
0x9: {  	[smem:$0x3FAF] =	sst s1  }
0xa: {  	[smem:$0x3FB0] =	sst s2  }
0xb: {  	[smem:$0x3FB1] =	sst s3  }
0xc: {  	[smem:$0x3FB2] =	sst s4  }
0xd: {  	[smem:$0x3FB3] =	sst s5  }
0xe: {  	[smem:$0x3FB4] =	sst s6  }
0xf: {  	[smem:$0x3FB5] =	sst s7  }
0x10: {  	[smem:$0x3FB6] =	sst s8  }
0x11: {  	[smem:$0x3FB7] =	sst s9;
	s0 =	simm.s32 @!p0 $0x0  }
0x12: {  	s1 =	sld [smem:$0x3F9D];
	s0 =	simm.s32 @p0 $0x1  }
0x13: {  	[smem:$0x3FB8] =	sst s0;
	s0 =	simm.s32 @!p1 $0x0  }
0x14: {  	s2 =	sld [smem:$0x3F9C];
	s0 =	simm.s32 @p1 $0x1  }
0x15: {  	[smem:$0x3FB9] =	sst s0;
	s0 =	simm.s32 @!p2 $0x0  }
0x16: {  	s3 =	sld [smem:$0x3FDB];
	s0 =	simm.s32 @p2 $0x1  }
0x17: {  	s4 =	simm.s32 $0x1BF5;
	[smem:$0x3FBB] =	sst s0  }
0x18: {  	s0 =	sld [smem:$0x3F9E];
	_ =	swait.ge [sflag:s4], $0x0  }
0x19: {  	s7 =	sld [smem:$0x3F9F]  }
0x1a: {  	s8 =	sadd.s32 $0xFFFFE003, lr  }
0x1b: {  	s9 =	sadd.s32 $0xFFFFFEF7, lr;
	s5 =	simm.s32 $0xFFFFFFFF;
	p2 =	slt.u32 s8, $0xFFFFF086  }
0x1c: {  	p1 =	slt.u32 s9, $0xF7A;
	s5 =	simm.s32 @!p2 $0x0  }
0x1d: {  	s5 =	simm.s32 @p1 $0x1;
	p0 =	seq.s32 s7, s2  }
0x1e: {  	s7 =	smul.u32 @!p0 $0xF7A, s2;
	p2 =	seq.s32 @!p0 s5, $0x0  }
0x1f: {  	s9 =	smul.u32 $0xF7A, s1;
	s8 =	simm.s32 @!p0 $0x1BF5;
	p2 =	por !p2, p0  }
0x20: {  	[sflag:s8] =	ssyncset.s32 @!p0 $0xFFFFF086;
	s6 =	sadd.s32 @!p0 s3, s7;
	s7 =	simm.s32 @!p0 $0x108  }
0x21: {  	s3 =	sadd.s32 s3, s9;
	s6 =	sadd.s32 @!p0 $0x88, s6;
	s7 =	simm.s32 @p2 $0x1082  }
0x22: {  	[simem:s7], [sflag:s8] =	dma.local @!p0 [hbm:s6], $0xF7A  }
0x23: {  	s9 =	sor.u32 $0xD0000000, s2;
	s6 =	simm.s32 $0x108;
	_ =	swait.ge @!p0 [sflag:s8], $0x0  }
0x24: {  	s3 =	sadd.s32 $0x88, s3;
	s6 =	simm.s32 @!p1 $0x1082;
	[sflag:s4] =	ssyncset.s32 $0xFFFFF086  }
0x25: {  	[simem:s6], [sflag:s4] =	dma.local [hbm:s3], $0xF7A  }
0x26: {  	[smem:$0x3F9F] =	sst s1;
	(tag) =	ssettag s2;
	_ =	strace s9  }
0x27: {  	s1 =	sld [smem:$0x3FAF]  }
0x28: {  	s2 =	sld [smem:$0x3FB0]  }
0x29: {  	s4 =	sld [smem:$0x3FB2]  }
0x2a: {  	p0 =	seq.s32 s5, $0x0;
	s5 =	sld [smem:$0x3FB3]  }
0x2b: {  	s6 =	sld [smem:$0x3FB4]  }
0x2c: {  	s7 =	sld [smem:$0x3FB5]  }
0x2d: {  	s3 =	simm.s32 $0x108;
	s8 =	sld [smem:$0x3FB6]  }
0x2e: {  	s3 =	simm.s32 @!p0 $0x1082;
	s9 =	sld [smem:$0x3FB7]  }
0x2f: {  	lr =	sadd.s32 s0, s3;
	s0 =	sld [smem:$0x3FAE]  }
0x30: {  	s3 =	sld [smem:$0x3FB1]  }
0x31: {  	[smem:$0x3FBA] =	sst s10  }
0x32: {  	s10 =	sld [smem:$0x3FB8];
	_ =	sdelay $0x3  }
0x33: {  	p0 =	seq.s32 s10, $0x1;
	s10 =	sld [smem:$0x3FBA];
	_ =	sdelay $0x3  }
0x34: {  	[smem:$0x3FBA] =	sst s10  }
0x35: {  	s10 =	sld [smem:$0x3FB9];
	_ =	sdelay $0x3  }
0x36: {  	p1 =	seq.s32 s10, $0x1;
	s10 =	sld [smem:$0x3FBA];
	_ =	sdelay $0x3  }
0x37: {  	[smem:$0x3FBA] =	sst s10  }
0x38: {  	s10 =	sld [smem:$0x3FBB]  }
0x39: {  	_ = 	snop;
	(pc) =	sbr.ind lr, $3  }
0x3a: {  	_ = 	snop  }
0x3b: {  	_ = 	snop  }
0x3c: {  	p2 =	seq.s32 s10, $0x1;
	s10 =	sld [smem:$0x3FBA]  }
0x3d: {  	_ =	shalt  }
0x3e: {  	_ =	shalt  }
0x3f: {  	_ =	shalt  }
0x40: {  	_ =	shalt  }
0x41: {  	_ =	shalt  }
0x42: {  	_ =	shalt  }
0x43: {  	_ =	shalt  }
0x44: {  	_ =	shalt  }
0x45: {  	_ =	shalt  }
0x46: {  	_ =	shalt  }
0x47: {  	_ =	shalt  }
0x48: {  	_ =	shalt  }
0x49: {  	_ =	shalt  }
0x4a: {  	_ =	shalt  }
0x4b: {  	_ =	shalt  }
0x4c: {  	_ =	shalt  }
0x4d: {  	_ =	shalt  }
0x4e: {  	_ =	shalt  }
0x4f: {  	_ =	shalt  }
0x50: {  	_ =	shalt  }
0x51: {  	_ =	shalt  }
0x52: {  	_ =	shalt  }
0x53: {  	_ =	shalt  }
0x54: {  	_ =	shalt  }
0x55: {  	_ =	shalt  }
0x56: {  	_ =	shalt  }
0x57: {  	_ =	shalt  }
0x58: {  	_ =	shalt  }
0x59: {  	_ =	shalt  }
0x5a: {  	_ =	shalt  }
0x5b: {  	_ =	shalt  }
0x5c: {  	_ =	shalt  }
0x5d: {  	_ =	shalt  }
0x5e: {  	_ =	shalt  }
0x5f: {  	_ =	shalt  }
0x60: {  	_ =	shalt  }
0x61: {  	_ =	shalt  }
0x62: {  	_ =	shalt  }
0x63: {  	_ =	shalt  }
0x64: {  	_ =	shalt  }
0x65: {  	_ =	shalt  }
0x66: {  	_ =	shalt  }
0x67: {  	_ =	shalt  }
0x68: {  	_ =	shalt  }
0x69: {  	_ =	shalt  }
0x6a: {  	_ =	shalt  }
0x6b: {  	_ =	shalt  }
0x6c: {  	_ =	shalt  }
0x6d: {  	_ =	shalt  }
0x6e: {  	_ =	shalt  }
0x6f: {  	_ =	shalt  }
0x70: {  	_ =	shalt  }
0x71: {  	_ =	shalt  }
0x72: {  	_ =	shalt  }
0x73: {  	_ =	shalt  }
0x74: {  	_ =	shalt  }
0x75: {  	_ =	shalt  }
0x76: {  	_ =	shalt  }
0x77: {  	_ =	shalt  }
0x78: {  	_ =	shalt  }
0x79: {  	_ =	shalt  }
0x7a: {  	_ =	shalt  }
0x7b: {  	_ =	shalt  }
0x7c: {  	_ =	shalt  }
0x7d: {  	_ =	shalt  }
0x7e: {  	_ =	shalt  }
0x7f: {  	_ =	shalt  }
0x80: {  	_ =	shalt  }
0x81: {  	_ =	shalt  }
0x82: {  	_ =	shalt  }
0x83: {  	_ =	shalt  }
0x84: {  	_ =	shalt  }
0x85: {  	_ =	shalt  }
0x86: {  	_ =	shalt  }
0x87: {  	_ =	shalt  }
.Lfunc_end0:
.L_simem_size_0:
called_computation_lowered:
.L_overlay_start_0:
0x88: {  	s2 =	sld [smem:$0x3FD9]  }
0x89: {  	s3 =	sld [smem:$0x3FFE];
	_ =	sdelay $0x1  }
0x8a: {  	s1 =	srdreg.scid  }
0x8b: {  	s0 =	sand.u32 $0x1, s1  }
0x8c: {  	s17 =	sshll.u32 s0, $0xA;
	s2 =	sadd.s32 s3, s2  }
0x8d: {  	s2 =	sadd.s32 s2, s17  }
0x8e: {  	[smem:$0x3FC6] =	sst s2  }
0x8f: {  	_ = 	snop  }
0x90: {  	s2 =	sld [smem:$0x3FC8]  }
0x91: {  	s18 =	sld [smem:$0x3FD0];
	(tm) =	ssettm $0x1  }
0x92: {  	s4 =	sld [smem:$0x3FFB];
	_ =	sdelay $0x3  }
0x93: {  	_ =	strace s4  }
0x94: {  	s4 =	sld [smem:$0x3FFC];
	_ =	sdelay $0x3  }
0x95: {  	_ =	strace s4  }
0x96: {  	s4 =	sld [smem:$0x3FFD];
	_ =	sdelay $0x3  }
0x97: {  	_ =	strace s4  }
0x98: {  	_ =	strace $0x8FFFFFFF  }
0x99: {  	s19 =	sld [smem:$0x3FDB];
	_ =	sdelay $0x1  }
0x9a: {  	s5 =	simm.s32 $_scs_section_size  }
0x9b: {  	s6 =	simm.s32 $_size__tile_overlayer_lowered;
	s7 =	simm.s32 $_tile_overlayer_lowered  }
0x9c: {  	s22 =	simm.s32 $0x1BFF;
	s21 =	sshll.u32 s7, $0x1;
	s4 =	sadd.s32 s5, s19  }
0x9d: {  	s8 =	simm.s32 $0x0;
	s20 =	sshll.u32 s6, $0x1;
	s6 =	sadd.s32 s21, s4  }
0x9e: {  	[timem:s8], [sflag:s22] =	dma.local [hbm:s6], s20  }
0x9f: {  	_ =	swait.ge [sflag:s22], s20  }
0xa0: {  	s5 =	ssub.s32 $0x0, s20;
	[sflag:s22] =	ssyncset.done $0x0  }
0xa1: {  	[sflag:s22] =	ssyncadd.s32 s5;
	_ =	sdelay $0x1  }
0xa2: {  	s23 =	simm.s32 $0x1B8B  }
0xa3: {  	_ =	swait.ge [sflag:s23], $0x1  }
0xa4: {  	[sflag:s23] =	ssyncset.done $0x0  }
0xa5: {  	s25 =	simm.s32 $0x1B8E;
	s24 =	sld [smem:$0x3FFE];
	[sflag:s23] =	ssyncadd.s32 $0xFFFFFFFF  }
0xa6: {  	s26 =	simm.s32 $execute0_lowered;
	[smem:$0x3FD2] =	sst s25  }
0xa7: {  	s6 =	sshll.u32 s26, $0x1;
	_ =	strace $0x80000046;
	[dreg:$0x1] =	wrdreg $0xFFFFFFFF  }
0xa8: {  	s28 =	simm.s32 $_size_execute0_lowered;
	s4 =	sadd.s32 s4, s6;
	[dreg:$0x0] =	wrdreg $0x0  }
0xa9: {  	s6 =	sshll.u32 s28, $0x1;
	[dreg:$0x2] =	wrdreg s4  }
0xaa: {  	[dreg:$0x3] =	wrdreg s6  }
0xab: {  	[dreg:$0x4] =	wrdreg $0xC0  }
0xac: {  	_ =	task [dreg:s8], $0x5FFFF  }
0xad: {  	[dreg:$0x1] =	wrdreg $0xFFFFFFFF  }
0xae: {  	[dreg:$0x0] =	wrdreg $0x60  }
0xaf: {  	[dreg:$0x2] =	wrdreg s24  }
0xb0: {  	[dreg:$0x3] =	wrdreg s2  }
0xb1: {  	[dreg:$0x4] =	wrdreg s18  }
0xb2: {  	[dreg:$0x5] =	wrdreg $0x9  }
0xb3: {  	_ =	task.clear_ibuf [dreg:s8], $0x6FFFF;
	_ =	strace $0x90000046  }
0xb4: {  	s29 =	simm.s32 $0x9;
	_ =	strace $0x80000048  }
0xb5: {  	_ =	swait.ge [sflag:s29], $0x1  }
0xb6: {  	[sflag:s29] =	ssyncadd.s32 $0xFFFFFFFF  }
0xb7: {  	_ =	strace $0x90000048  }
0xb8: {  	_ =	sfence  }
0xb9: {  	s30 =	sld [smem:$0x0];
	_ =	sdelay $0x2  }
0xba: {  	s31 =	sshll.u32 s1, $0xD;
	s1 =	sshrl.u32 s1, $0x2  }
0xbb: {  	s3 =	sand.u32 $0x4000, s31;
	s1 =	sadd.s32 s1, s30  }
0xbc: {  	s0 =	sor.u32 s3, s0;
	s1 =	sshll.u32 s1, $0x11  }
0xbd: {  	s0 =	sor.u32 s1, s0  }
0xbe: {  	s0 =	sadd.s32 $0x8F2B, s0  }
0xbf: {  	[sflag:s0] =	ssyncadd.remote.s32 $0x1  }
0xc0: {  	_ =	sfence.sel $0xFFFF  }
0xc1: {  	[dreg:$0x0] =	wrdreg $0xFFFFFFFF;
	(pc) =	sbr.abs _section_cstart, $3  }
0xc2: {  	[dreg:$0x1] =	wrdreg $0xFFFFFFFF  }
0xc3: {  	_ =	task.clear_ibuf [dreg:s8], $0x2FFFF;
	_ =	strace $0x9FFFFFFF  }
0xc4: {  	(tm) =	ssettm $0x7FFFFFFF  }
0xc5: {  	_ =	shalt  }
tec
execute0_lowered:
.L_overlay_start_1:
0x0: {  	(tag) =	ssettag $0x1  }
0x1: {  	s0 =	rddreg [dreg:$0x0]  }
0x2: {  	s2 =	rddreg [dreg:$0x1]  }
0x3: {  	s1 =	srdreg.scid;
	s8 =	stileid.u32  }
0x4: {  	s4 =	rddreg [dreg:$0x2];
	s3 =	simm.s32 $0x0;
	s30 =	simm.s32 $0x9800  }
0x5: {  	s29 =	simm.s32 $0xE000;
	s31 =	simm.s32 $0xF000;
	s11 =	simm.s32 $0x5  }
0x6: {  	s12 =	simm.s32 $0x6;
	s13 =	simm.s32 $0x7;
	s14 =	simm.s32 $0x8  }
0x7: {  	s28 =	simm.s32 $0xF;
	s1 =	sand.u32 $0x1, s1;
	s5 =	sshll.u32 s8, $0x1  }
0x8: {  	[smem:$0x7FF] =	sst s3;
	s17 =	sshll.u32 s8, $0x12;
	s5 =	sor.u32 s1, s5  }
0x9: {  	s7 =	ssub.s32 $0x2, s1;
	_ =	strace $0x80000047;
	s1 =	sshll.u32 s1, $0x11  }
0xa: {  	s6 =	sshll.u32 s5, $0xC;
	s15 =	sshrl.u32 s7, $0x1;
	s16 =	sshll.u32 s5, $0x11  }
0xb: {  	s5 =	sadd.s32 $0x200, s2;
	s19 =	sor.u32 s1, s17;
	s0 =	sadd.s32 s6, s0  }
0xc: {  	s6 =	ssub.s32 s7, s15;
	s8 =	sadd.s32 s19, s4;
	s0 =	sadd.s32 $0x400, s0  }
0xd: {  	s7 =	simm.s32 $0x0;
	s23 =	sadd.s32 $0xC00, s8;
	[dreg:$0x8] =	wrdreg s0  }
0xe: {  	s15 =	simm.s32 $0x9;
	s24 =	sadd.s32 $0x800, s8;
	[dreg:$0x4] =	wrdreg s23  }
0xf: {  	s19 =	simm.s32 $0xB;
	s8 =	sadd.s32 $0x400, s8;
	[dreg:$0x5] =	wrdreg s24  }
0x10: {  	s26 =	smax.u32 s6, $0x1;
	s0 =	sadd.s32 s16, s4;
	[dreg:$0x6] =	wrdreg s8  }
0x11: {  	s6 =	simm.s32 $0x400;
	[dreg:$0x11] =	wrdreg s26;
	s18 =	sadd.s32 $0x1F000, s0  }
0x12: {  	s4 =	sadd.s32 s17, s4;
	s9 =	sadd.s32 $0x1F040, s0;
	[dreg:$0x9] =	wrdreg s18  }
0x13: {  	s16 =	simm.s32 $0xA000;
	s20 =	sadd.s32 $0x1F400, s0;
	[dreg:$0xa] =	wrdreg s9  }
0x14: {  	s24 =	simm.s32 $0xC000;
	s21 =	sadd.s32 $0x1F440, s0;
	[dreg:$0xb] =	wrdreg s20  }
0x15: {  	s26 =	simm.s32 $0xD000;
	s22 =	sadd.s32 $0x1F800, s0;
	[dreg:$0xc] =	wrdreg s21  }
0x16: {  	s8 =	simm.s32 $0x2;
	s10 =	sadd.s32 $0x1F840, s0;
	[dreg:$0xd] =	wrdreg s22  }
0x17: {  	s17 =	simm.s32 $0xA;
	s25 =	sadd.s32 $0x1FC00, s0;
	[dreg:$0xe] =	wrdreg s10  }
0x18: {  	s23 =	simm.s32 $0xD;
	s0 =	sadd.s32 $0x1FC40, s0;
	[dreg:$0xf] =	wrdreg s25  }
0x19: {  	s1 =	sadd.s32 s1, s4;
	s4 =	simm.s32 $0x200;
	[dreg:$0x10] =	wrdreg s0  }
0x1a: {  	v0 =	vlaneseq.u32;
	[dreg:$0x7] =	wrdreg s1;
	s18 =	simm.s32 $0x8000;
	s0 =	simm.s32 $0x8800  }
0x1b: {  	v1 =	vshrl.u32 v0, $0x2;
	s20 =	simm.s32 $0x9000;
	s22 =	simm.s32 $0xB000;
	s9 =	simm.s32 $0x3  }
0x1c: {  	vm0 =	vmmov $0xffff;
	v0 =	vand.u32 $0x3, v0;
	v1 =	vmul.u32 $0x8, v1;
	s10 =	simm.s32 $0x4;
	s21 =	simm.s32 $0xC;
	s25 =	simm.s32 $0xE  }
.LBB2_1:
0x1d: {  	[dreg:$0x12] =	wrdreg s7  }
0x1e: {  	s1 =	rddreg [dreg:$0x8];
	s7 =	simm.s32 $0x11  }
0x1f: {  	[tilespmem:s3], [sflag:$0x11] =	stream.linear.gather [hbm4b:s1+s3], $0x8000, $0x38;
	[tilespmem:$0x10000] =	vst v63  }
0x20: {  	_ =	swait.ge [sflag:s7], $0x8000  }
0x21: {  	[sflag:s7] =	ssyncset.done $0x0  }
0x22: {  	[sflag:s7] =	ssyncadd.s32 $0xFFFF8000  }
0x23: {  	v2 =	vld.msk [tilespmem:$0x0], $0xf;
	_ =	sdelay $0x4  }
0x24: {  	v3 =	vshll.u32 v2, $0x3  }
0x25: {  	v2 =	vand.u32 $0x7, v2;
	v3 =	vand.u32 $0xFFFFFFC0, v3  }
0x26: {  	v2 =	vor.u32 v2, v3  }
0x27: {  	v2 =	vperm.xlane v2, v0;
	_ =	sdelay $0x1  }
0x28: {  	v2 =	vadd.s32 v1, v2;
	_ =	sdelay $0x4  }
0x29: {  	[tilespmem:s18], [sflag:$0x1] =	stream.indirect_vreg.gather [hbm4b:s2+s3], $0x80, v2, vm0, $0xb8;
	[tilespmem:$0x10000] =	vst v63  }
0x2a: {  	_ = 	snop  }
0x2b: {  	[tilespmem:s0], [sflag:$0x1] =	stream.indirect_vreg.gather [hbm4b:s5+s3], $0x80, v2, vm0, $0xb8;
	[tilespmem:$0x10000] =	vst v63  }
0x2c: {  	v2 =	vld.msk [tilespmem:$0x80], $0xf;
	_ =	sdelay $0x4  }
0x2d: {  	v3 =	vshll.u32 v2, $0x3  }
0x2e: {  	v2 =	vand.u32 $0x7, v2;
	v3 =	vand.u32 $0xFFFFFFC0, v3  }
0x2f: {  	v2 =	vor.u32 v2, v3  }
0x30: {  	v2 =	vperm.xlane v2, v0;
	_ =	sdelay $0x1  }
0x31: {  	v2 =	vadd.s32 v1, v2;
	_ =	sdelay $0x4  }
0x32: {  	[tilespmem:s20], [sflag:$0x2] =	stream.indirect_vreg.gather [hbm4b:s2+s3], $0x80, v2, vm0, $0xb8;
	[tilespmem:$0x10000] =	vst v63  }
0x33: {  	_ = 	snop  }
0x34: {  	[tilespmem:s30], [sflag:$0x2] =	stream.indirect_vreg.gather [hbm4b:s5+s3], $0x80, v2, vm0, $0xb8;
	[tilespmem:$0x10000] =	vst v63  }
0x35: {  	v2 =	vld.msk [tilespmem:$0x100], $0xf;
	_ =	sdelay $0x4  }
0x36: {  	v3 =	vshll.u32 v2, $0x3  }
0x37: {  	v2 =	vand.u32 $0x7, v2;
	v3 =	vand.u32 $0xFFFFFFC0, v3  }
0x38: {  	v2 =	vor.u32 v2, v3  }
0x39: {  	v2 =	vperm.xlane v2, v0;
	_ =	sdelay $0x1  }
0x3a: {  	v2 =	vadd.s32 v1, v2;
	_ =	sdelay $0x4  }
0x3b: {  	[tilespmem:s16], [sflag:$0x3] =	stream.indirect_vreg.gather [hbm4b:s2+s3], $0x80, v2, vm0, $0xb8;
	[tilespmem:$0x10000] =	vst v63  }
0x3c: {  	s20 =	simm.s32 $0xA800  }
0x3d: {  	[tilespmem:s20], [sflag:$0x3] =	stream.indirect_vreg.gather [hbm4b:s5+s3], $0x80, v2, vm0, $0xb8;
	[tilespmem:$0x10000] =	vst v63  }
0x3e: {  	v2 =	vld.msk [tilespmem:$0x180], $0xf;
	_ =	sdelay $0x4  }
0x3f: {  	v3 =	vshll.u32 v2, $0x3  }
0x40: {  	v2 =	vand.u32 $0x7, v2;
	v3 =	vand.u32 $0xFFFFFFC0, v3  }
0x41: {  	v2 =	vor.u32 v2, v3  }
0x42: {  	v2 =	vperm.xlane v2, v0;
	_ =	sdelay $0x1  }
0x43: {  	v2 =	vadd.s32 v1, v2;
	_ =	sdelay $0x4  }
0x44: {  	[tilespmem:s22], [sflag:$0x4] =	stream.indirect_vreg.gather [hbm4b:s2+s3], $0x80, v2, vm0, $0xb8;
	[tilespmem:$0x10000] =	vst v63  }
0x45: {  	s22 =	simm.s32 $0xB800  }
0x46: {  	[tilespmem:s22], [sflag:$0x4] =	stream.indirect_vreg.gather [hbm4b:s5+s3], $0x80, v2, vm0, $0xb8;
	[tilespmem:$0x10000] =	vst v63  }
0x47: {  	v2 =	vld.msk [tilespmem:$0x200], $0xf;
	_ =	sdelay $0x4  }
0x48: {  	v3 =	vshll.u32 v2, $0x3  }
0x49: {  	v2 =	vand.u32 $0x7, v2;
	v3 =	vand.u32 $0xFFFFFFC0, v3  }
0x4a: {  	v2 =	vor.u32 v2, v3  }
0x4b: {  	v2 =	vperm.xlane v2, v0;
	_ =	sdelay $0x1  }
0x4c: {  	v2 =	vadd.s32 v1, v2;
	_ =	sdelay $0x4  }
0x4d: {  	[tilespmem:s24], [sflag:$0x5] =	stream.indirect_vreg.gather [hbm4b:s2+s3], $0x80, v2, vm0, $0xb8;
	[tilespmem:$0x10000] =	vst v63  }
0x4e: {  	s24 =	simm.s32 $0xC800  }
0x4f: {  	[tilespmem:s24], [sflag:$0x5] =	stream.indirect_vreg.gather [hbm4b:s5+s3], $0x80, v2, vm0, $0xb8;
	[tilespmem:$0x10000] =	vst v63  }
0x50: {  	v2 =	vld.msk [tilespmem:$0x280], $0xf;
	_ =	sdelay $0x4  }
0x51: {  	v3 =	vshll.u32 v2, $0x3  }
0x52: {  	v2 =	vand.u32 $0x7, v2;
	v3 =	vand.u32 $0xFFFFFFC0, v3  }
0x53: {  	v2 =	vor.u32 v2, v3  }
0x54: {  	v2 =	vperm.xlane v2, v0;
	_ =	sdelay $0x1  }
0x55: {  	v2 =	vadd.s32 v1, v2;
	_ =	sdelay $0x4  }
0x56: {  	[tilespmem:s26], [sflag:$0x6] =	stream.indirect_vreg.gather [hbm4b:s2+s3], $0x80, v2, vm0, $0xb8;
	[tilespmem:$0x10000] =	vst v63  }
0x57: {  	s26 =	simm.s32 $0xD800  }
0x58: {  	[tilespmem:s26], [sflag:$0x6] =	stream.indirect_vreg.gather [hbm4b:s5+s3], $0x80, v2, vm0, $0xb8;
	[tilespmem:$0x10000] =	vst v63  }
0x59: {  	v2 =	vld.msk [tilespmem:$0x300], $0xf;
	_ =	sdelay $0x4  }
0x5a: {  	v3 =	vshll.u32 v2, $0x3  }
0x5b: {  	v2 =	vand.u32 $0x7, v2;
	v3 =	vand.u32 $0xFFFFFFC0, v3  }
0x5c: {  	v2 =	vor.u32 v2, v3  }
0x5d: {  	v2 =	vperm.xlane v2, v0;
	_ =	sdelay $0x1  }
0x5e: {  	v2 =	vadd.s32 v1, v2;
	_ =	sdelay $0x4  }
0x5f: {  	[tilespmem:s29], [sflag:$0x7] =	stream.indirect_vreg.gather [hbm4b:s2+s3], $0x80, v2, vm0, $0xb8;
	[tilespmem:$0x10000] =	vst v63  }
0x60: {  	s29 =	simm.s32 $0xE800  }
0x61: {  	[tilespmem:s29], [sflag:$0x7] =	stream.indirect_vreg.gather [hbm4b:s5+s3], $0x80, v2, vm0, $0xb8;
	[tilespmem:$0x10000] =	vst v63  }
0x62: {  	v2 =	vld.msk [tilespmem:$0x380], $0xf;
	_ =	sdelay $0x4  }
0x63: {  	v3 =	vshll.u32 v2, $0x3  }
0x64: {  	v2 =	vand.u32 $0x7, v2;
	v3 =	vand.u32 $0xFFFFFFC0, v3  }
0x65: {  	v2 =	vor.u32 v2, v3  }
0x66: {  	v2 =	vperm.xlane v2, v0;
	_ =	sdelay $0x1  }
0x67: {  	v2 =	vadd.s32 v1, v2;
	_ =	sdelay $0x4  }
0x68: {  	[tilespmem:s31], [sflag:$0x8] =	stream.indirect_vreg.gather [hbm4b:s2+s3], $0x80, v2, vm0, $0xb8;
	[tilespmem:$0x10000] =	vst v63  }
0x69: {  	s7 =	simm.s32 $0x1;
	s30 =	simm.s32 $0x0;
	s31 =	simm.s32 $0xF800  }
0x6a: {  	[tilespmem:s31], [sflag:$0x8] =	stream.indirect_vreg.gather [hbm4b:s5+s3], $0x80, v2, vm0, $0xb8;
	[tilespmem:$0x10000] =	vst v63  }
.LBB2_2:
0x6b: {  	_ =	swait.ge [sflag:s7], $0x1000  }
0x6c: {  	s1 =	rddreg [dreg:$0x7];
	[sflag:s7] =	ssyncset.done $0x0  }
0x6d: {  	s20 =	simm.s32 $0x8000;
	[sflag:s7] =	ssyncadd.s32 $0xFFFFF000;
	s1 =	sadd.s32 s30, s1  }
0x6e: {  	[hbm4b:s1+s4] =	stream.strided.scatter [tilespmem:s20], [sflag:$0x9], $0x1000, s6, s4, $0x38;
	[tilespmem:$0x10000] =	vst v63  }
0x6f: {  	_ =	swait.ge [sflag:s8], $0x1000  }
0x70: {  	[sflag:s8] =	ssyncset.done $0x0  }
0x71: {  	s16 =	simm.s32 $0x9000;
	s1 =	sadd.s32 $0x40, s1;
	[sflag:s8] =	ssyncadd.s32 $0xFFFFF000  }
0x72: {  	[hbm4b:s1+s4] =	stream.strided.scatter [tilespmem:s16], [sflag:$0xA], $0x1000, s6, s4, $0x38;
	[tilespmem:$0x10000] =	vst v63  }
0x73: {  	_ =	swait.ge [sflag:s9], $0x1000  }
0x74: {  	s24 =	rddreg [dreg:$0x6];
	[sflag:s9] =	ssyncset.done $0x0  }
0x75: {  	s22 =	simm.s32 $0xA000;
	[sflag:s9] =	ssyncadd.s32 $0xFFFFF000;
	s1 =	sadd.s32 s30, s24  }
0x76: {  	[hbm4b:s1+s4] =	stream.strided.scatter [tilespmem:s22], [sflag:$0xB], $0x1000, s6, s4, $0x38;
	[tilespmem:$0x10000] =	vst v63  }
0x77: {  	_ =	swait.ge [sflag:s10], $0x1000  }
0x78: {  	[sflag:s10] =	ssyncset.done $0x0  }
0x79: {  	s24 =	simm.s32 $0xB000;
	s1 =	sadd.s32 $0x40, s1;
	[sflag:s10] =	ssyncadd.s32 $0xFFFFF000  }
0x7a: {  	[hbm4b:s1+s4] =	stream.strided.scatter [tilespmem:s24], [sflag:$0xC], $0x1000, s6, s4, $0x38;
	[tilespmem:$0x10000] =	vst v63  }
0x7b: {  	_ =	swait.ge [sflag:s11], $0x1000  }
0x7c: {  	s26 =	rddreg [dreg:$0x5];
	[sflag:s11] =	ssyncset.done $0x0  }
0x7d: {  	[sflag:s11] =	ssyncadd.s32 $0xFFFFF000;
	s1 =	sadd.s32 s30, s26;
	s26 =	simm.s32 $0xC000  }
0x7e: {  	[hbm4b:s1+s4] =	stream.strided.scatter [tilespmem:s26], [sflag:$0xD], $0x1000, s6, s4, $0x38;
	[tilespmem:$0x10000] =	vst v63  }
0x7f: {  	_ =	swait.ge [sflag:s12], $0x1000  }
0x80: {  	[sflag:s12] =	ssyncset.done $0x0  }
0x81: {  	s29 =	simm.s32 $0xD000;
	s1 =	sadd.s32 $0x40, s1;
	[sflag:s12] =	ssyncadd.s32 $0xFFFFF000  }
0x82: {  	[hbm4b:s1+s4] =	stream.strided.scatter [tilespmem:s29], [sflag:$0xE], $0x1000, s6, s4, $0x38;
	[tilespmem:$0x10000] =	vst v63  }
0x83: {  	_ =	swait.ge [sflag:s13], $0x1000  }
0x84: {  	s0 =	rddreg [dreg:$0x4];
	[sflag:s13] =	ssyncset.done $0x0  }
0x85: {  	s31 =	simm.s32 $0xE000;
	[sflag:s13] =	ssyncadd.s32 $0xFFFFF000;
	s1 =	sadd.s32 s30, s0  }
0x86: {  	[hbm4b:s1+s4] =	stream.strided.scatter [tilespmem:s31], [sflag:$0xF], $0x1000, s6, s4, $0x38;
	[tilespmem:$0x10000] =	vst v63  }
0x87: {  	_ =	swait.ge [sflag:s14], $0x1000  }
0x88: {  	[sflag:s14] =	ssyncset.done $0x0  }
0x89: {  	s0 =	simm.s32 $0xF000;
	s1 =	sadd.s32 $0x40, s1;
	[sflag:s14] =	ssyncadd.s32 $0xFFFFF000  }
0x8a: {  	[hbm4b:s1+s4] =	stream.strided.scatter [tilespmem:s0], [sflag:$0x10], $0x1000, s6, s4, $0x38;
	[tilespmem:$0x10000] =	vst v63  }
0x8b: {  	_ =	swait.ge [sflag:s15], $0x1000  }
0x8c: {  	[sflag:s15] =	ssyncset.done $0x0  }
0x8d: {  	s1 =	sshra.s32 s30, $0x2;
	[sflag:s15] =	ssyncadd.s32 $0xFFFFF000  }
0x8e: {  	v2 =	vld.msk [tilespmem:s1+$0x400], $0xf;
	_ =	sdelay $0x4  }
0x8f: {  	v3 =	vshll.u32 v2, $0x3  }
0x90: {  	v2 =	vand.u32 $0x7, v2;
	v3 =	vand.u32 $0xFFFFFFC0, v3  }
0x91: {  	v2 =	vor.u32 v2, v3  }
0x92: {  	v2 =	vperm.xlane v2, v0;
	_ =	sdelay $0x1  }
0x93: {  	v2 =	vadd.s32 v1, v2;
	_ =	sdelay $0x4  }
0x94: {  	[tilespmem:s20], [sflag:$0x1] =	stream.indirect_vreg.gather [hbm4b:s2+s3], $0x80, v2, vm0, $0xb8;
	[tilespmem:$0x10000] =	vst v63  }
0x95: {  	s20 =	simm.s32 $0x8800  }
0x96: {  	[tilespmem:s20], [sflag:$0x1] =	stream.indirect_vreg.gather [hbm4b:s5+s3], $0x80, v2, vm0, $0xb8;
	[tilespmem:$0x10000] =	vst v63  }
0x97: {  	_ =	swait.ge [sflag:s17], $0x1000  }
0x98: {  	[sflag:s17] =	ssyncset.done $0x0  }
0x99: {  	[sflag:s17] =	ssyncadd.s32 $0xFFFFF000  }
0x9a: {  	v2 =	vld.msk [tilespmem:s1+$0x480], $0xf;
	_ =	sdelay $0x4  }
0x9b: {  	v3 =	vshll.u32 v2, $0x3  }
0x9c: {  	v2 =	vand.u32 $0x7, v2;
	v3 =	vand.u32 $0xFFFFFFC0, v3  }
0x9d: {  	v2 =	vor.u32 v2, v3  }
0x9e: {  	v2 =	vperm.xlane v2, v0;
	_ =	sdelay $0x1  }
0x9f: {  	v2 =	vadd.s32 v1, v2;
	_ =	sdelay $0x4  }
0xa0: {  	[tilespmem:s16], [sflag:$0x2] =	stream.indirect_vreg.gather [hbm4b:s2+s3], $0x80, v2, vm0, $0xb8;
	[tilespmem:$0x10000] =	vst v63  }
0xa1: {  	s16 =	simm.s32 $0x9800  }
0xa2: {  	[tilespmem:s16], [sflag:$0x2] =	stream.indirect_vreg.gather [hbm4b:s5+s3], $0x80, v2, vm0, $0xb8;
	[tilespmem:$0x10000] =	vst v63  }
0xa3: {  	_ =	swait.ge [sflag:s19], $0x1000  }
0xa4: {  	[sflag:s19] =	ssyncset.done $0x0  }
0xa5: {  	[sflag:s19] =	ssyncadd.s32 $0xFFFFF000  }
0xa6: {  	v2 =	vld.msk [tilespmem:s1+$0x500], $0xf;
	_ =	sdelay $0x4  }
0xa7: {  	v3 =	vshll.u32 v2, $0x3  }
0xa8: {  	v2 =	vand.u32 $0x7, v2;
	v3 =	vand.u32 $0xFFFFFFC0, v3  }
0xa9: {  	v2 =	vor.u32 v2, v3  }
0xaa: {  	v2 =	vperm.xlane v2, v0;
	_ =	sdelay $0x1  }
0xab: {  	v2 =	vadd.s32 v1, v2;
	_ =	sdelay $0x4  }
0xac: {  	[tilespmem:s22], [sflag:$0x3] =	stream.indirect_vreg.gather [hbm4b:s2+s3], $0x80, v2, vm0, $0xb8;
	[tilespmem:$0x10000] =	vst v63  }
0xad: {  	s22 =	simm.s32 $0xA800  }
0xae: {  	[tilespmem:s22], [sflag:$0x3] =	stream.indirect_vreg.gather [hbm4b:s5+s3], $0x80, v2, vm0, $0xb8;
	[tilespmem:$0x10000] =	vst v63  }
0xaf: {  	_ =	swait.ge [sflag:s21], $0x1000  }
0xb0: {  	[sflag:s21] =	ssyncset.done $0x0  }
0xb1: {  	[sflag:s21] =	ssyncadd.s32 $0xFFFFF000  }
0xb2: {  	v2 =	vld.msk [tilespmem:s1+$0x580], $0xf;
	_ =	sdelay $0x4  }
0xb3: {  	v3 =	vshll.u32 v2, $0x3  }
0xb4: {  	v2 =	vand.u32 $0x7, v2;
	v3 =	vand.u32 $0xFFFFFFC0, v3  }
0xb5: {  	v2 =	vor.u32 v2, v3  }
0xb6: {  	v2 =	vperm.xlane v2, v0;
	_ =	sdelay $0x1  }
0xb7: {  	v2 =	vadd.s32 v1, v2;
	_ =	sdelay $0x4  }
0xb8: {  	[tilespmem:s24], [sflag:$0x4] =	stream.indirect_vreg.gather [hbm4b:s2+s3], $0x80, v2, vm0, $0xb8;
	[tilespmem:$0x10000] =	vst v63  }
0xb9: {  	s24 =	simm.s32 $0xB800  }
0xba: {  	[tilespmem:s24], [sflag:$0x4] =	stream.indirect_vreg.gather [hbm4b:s5+s3], $0x80, v2, vm0, $0xb8;
	[tilespmem:$0x10000] =	vst v63  }
0xbb: {  	_ =	swait.ge [sflag:s23], $0x1000  }
0xbc: {  	[sflag:s23] =	ssyncset.done $0x0  }
0xbd: {  	[sflag:s23] =	ssyncadd.s32 $0xFFFFF000  }
0xbe: {  	v2 =	vld.msk [tilespmem:s1+$0x600], $0xf;
	_ =	sdelay $0x4  }
0xbf: {  	v3 =	vshll.u32 v2, $0x3  }
0xc0: {  	v2 =	vand.u32 $0x7, v2;
	v3 =	vand.u32 $0xFFFFFFC0, v3  }
0xc1: {  	v2 =	vor.u32 v2, v3  }
0xc2: {  	v2 =	vperm.xlane v2, v0;
	_ =	sdelay $0x1  }
0xc3: {  	v2 =	vadd.s32 v1, v2;
	_ =	sdelay $0x4  }
0xc4: {  	[tilespmem:s26], [sflag:$0x5] =	stream.indirect_vreg.gather [hbm4b:s2+s3], $0x80, v2, vm0, $0xb8;
	[tilespmem:$0x10000] =	vst v63  }
0xc5: {  	s26 =	simm.s32 $0xC800  }
0xc6: {  	[tilespmem:s26], [sflag:$0x5] =	stream.indirect_vreg.gather [hbm4b:s5+s3], $0x80, v2, vm0, $0xb8;
	[tilespmem:$0x10000] =	vst v63  }
0xc7: {  	_ =	swait.ge [sflag:s25], $0x1000  }
0xc8: {  	[sflag:s25] =	ssyncset.done $0x0  }
0xc9: {  	[sflag:s25] =	ssyncadd.s32 $0xFFFFF000  }
0xca: {  	v2 =	vld.msk [tilespmem:s1+$0x680], $0xf;
	_ =	sdelay $0x4  }
0xcb: {  	v3 =	vshll.u32 v2, $0x3  }
0xcc: {  	v2 =	vand.u32 $0x7, v2;
	v3 =	vand.u32 $0xFFFFFFC0, v3  }
0xcd: {  	v2 =	vor.u32 v2, v3  }
0xce: {  	v2 =	vperm.xlane v2, v0;
	_ =	sdelay $0x1  }
0xcf: {  	v2 =	vadd.s32 v1, v2;
	_ =	sdelay $0x4  }
0xd0: {  	[tilespmem:s29], [sflag:$0x6] =	stream.indirect_vreg.gather [hbm4b:s2+s3], $0x80, v2, vm0, $0xb8;
	[tilespmem:$0x10000] =	vst v63  }
0xd1: {  	s29 =	simm.s32 $0xD800  }
0xd2: {  	[tilespmem:s29], [sflag:$0x6] =	stream.indirect_vreg.gather [hbm4b:s5+s3], $0x80, v2, vm0, $0xb8;
	[tilespmem:$0x10000] =	vst v63  }
0xd3: {  	_ =	swait.ge [sflag:s28], $0x1000  }
0xd4: {  	[sflag:s28] =	ssyncset.done $0x0  }
0xd5: {  	[sflag:s28] =	ssyncadd.s32 $0xFFFFF000  }
0xd6: {  	v2 =	vld.msk [tilespmem:s1+$0x700], $0xf;
	_ =	sdelay $0x4  }
0xd7: {  	v3 =	vshll.u32 v2, $0x3  }
0xd8: {  	v2 =	vand.u32 $0x7, v2;
	v3 =	vand.u32 $0xFFFFFFC0, v3  }
0xd9: {  	v2 =	vor.u32 v2, v3  }
0xda: {  	v2 =	vperm.xlane v2, v0;
	_ =	sdelay $0x1  }
0xdb: {  	v2 =	vadd.s32 v1, v2;
	_ =	sdelay $0x4  }
0xdc: {  	[tilespmem:s31], [sflag:$0x7] =	stream.indirect_vreg.gather [hbm4b:s2+s3], $0x80, v2, vm0, $0xb8;
	[tilespmem:$0x10000] =	vst v63  }
0xdd: {  	s31 =	simm.s32 $0xE800  }
0xde: {  	[tilespmem:s31], [sflag:$0x7] =	stream.indirect_vreg.gather [hbm4b:s5+s3], $0x80, v2, vm0, $0xb8;
	[tilespmem:$0x10000] =	vst v63  }
0xdf: {  	s31 =	simm.s32 $0x10  }
0xe0: {  	_ =	swait.ge [sflag:s31], $0x1000  }
0xe1: {  	[sflag:s31] =	ssyncset.done $0x0  }
0xe2: {  	[sflag:s31] =	ssyncadd.s32 $0xFFFFF000  }
0xe3: {  	v2 =	vld.msk [tilespmem:s1+$0x780], $0xf;
	_ =	sdelay $0x4  }
0xe4: {  	v3 =	vshll.u32 v2, $0x3  }
0xe5: {  	v2 =	vand.u32 $0x7, v2;
	v3 =	vand.u32 $0xFFFFFFC0, v3  }
0xe6: {  	v2 =	vor.u32 v2, v3  }
0xe7: {  	v2 =	vperm.xlane v2, v0;
	_ =	sdelay $0x1  }
0xe8: {  	v2 =	vadd.s32 v1, v2;
	_ =	sdelay $0x1  }
0xe9: {  	s18 =	simm.s32 $0x8000;
	p0 =	sne.s32 s30, $0x1E000;
	s30 =	sadd.s32 $0x1000, s30  }
.Ltmp0:
0xea: {  	s20 =	simm.s32 $0x9000;
	s16 =	simm.s32 $0xA000;
	(pc) =	sbr.rel @p0 .LBB2_2-.Ltmp0, $4  }
0xeb: {  	s22 =	simm.s32 $0xB000;
	s24 =	simm.s32 $0xC000;
	s26 =	simm.s32 $0xD000  }
0xec: {  	[tilespmem:s0], [sflag:$0x8] =	stream.indirect_vreg.gather [hbm4b:s2+s3], $0x80, v2, vm0, $0xb8;
	[tilespmem:$0x10000] =	vst v63  }
0xed: {  	s29 =	simm.s32 $0xE000;
	s31 =	simm.s32 $0xF000;
	s1 =	simm.s32 $0xF800  }
0xee: {  	[tilespmem:s1], [sflag:$0x8] =	stream.indirect_vreg.gather [hbm4b:s5+s3], $0x80, v2, vm0, $0xb8;
	[tilespmem:$0x10000] =	vst v63  }
0xef: {  	_ =	swait.ge [sflag:s7], $0x1000  }
0xf0: {  	[sflag:s7] =	ssyncset.done $0x0  }
0xf1: {  	s1 =	rddreg [dreg:$0x9];
	[sflag:s7] =	ssyncadd.s32 $0xFFFFF000  }
0xf2: {  	[hbm4b:s1+s4] =	stream.strided.scatter [tilespmem:s18], [sflag:$0x9], $0x1000, s6, s4, $0x38;
	[tilespmem:$0x10000] =	vst v63  }
0xf3: {  	_ =	swait.ge [sflag:s8], $0x1000  }
0xf4: {  	[sflag:s8] =	ssyncset.done $0x0  }
0xf5: {  	s0 =	rddreg [dreg:$0xa];
	[sflag:s8] =	ssyncadd.s32 $0xFFFFF000  }
0xf6: {  	[hbm4b:s0+s4] =	stream.strided.scatter [tilespmem:s20], [sflag:$0xA], $0x1000, s6, s4, $0x38;
	[tilespmem:$0x10000] =	vst v63  }
0xf7: {  	_ =	swait.ge [sflag:s9], $0x1000  }
0xf8: {  	[sflag:s9] =	ssyncset.done $0x0  }
0xf9: {  	s7 =	rddreg [dreg:$0xb];
	[sflag:s9] =	ssyncadd.s32 $0xFFFFF000  }
0xfa: {  	[hbm4b:s7+s4] =	stream.strided.scatter [tilespmem:s16], [sflag:$0xB], $0x1000, s6, s4, $0x38;
	[tilespmem:$0x10000] =	vst v63  }
0xfb: {  	_ =	swait.ge [sflag:s10], $0x1000  }
0xfc: {  	[sflag:s10] =	ssyncset.done $0x0  }
0xfd: {  	s0 =	rddreg [dreg:$0xc];
	[sflag:s10] =	ssyncadd.s32 $0xFFFFF000  }
0xfe: {  	[hbm4b:s0+s4] =	stream.strided.scatter [tilespmem:s22], [sflag:$0xC], $0x1000, s6, s4, $0x38;
	[tilespmem:$0x10000] =	vst v63  }
0xff: {  	_ =	swait.ge [sflag:s11], $0x1000  }
0x100: {  	[sflag:s11] =	ssyncset.done $0x0  }
0x101: {  	s7 =	rddreg [dreg:$0xd];
	[sflag:s11] =	ssyncadd.s32 $0xFFFFF000  }
0x102: {  	[hbm4b:s7+s4] =	stream.strided.scatter [tilespmem:s24], [sflag:$0xD], $0x1000, s6, s4, $0x38;
	[tilespmem:$0x10000] =	vst v63  }
0x103: {  	_ =	swait.ge [sflag:s12], $0x1000  }
0x104: {  	[sflag:s12] =	ssyncset.done $0x0  }
0x105: {  	s0 =	rddreg [dreg:$0xe];
	[sflag:s12] =	ssyncadd.s32 $0xFFFFF000  }
0x106: {  	[hbm4b:s0+s4] =	stream.strided.scatter [tilespmem:s26], [sflag:$0xE], $0x1000, s6, s4, $0x38;
	[tilespmem:$0x10000] =	vst v63  }
0x107: {  	_ =	swait.ge [sflag:s13], $0x1000  }
0x108: {  	[sflag:s13] =	ssyncset.done $0x0  }
0x109: {  	s7 =	rddreg [dreg:$0xf];
	[sflag:s13] =	ssyncadd.s32 $0xFFFFF000  }
0x10a: {  	[hbm4b:s7+s4] =	stream.strided.scatter [tilespmem:s29], [sflag:$0xF], $0x1000, s6, s4, $0x38;
	[tilespmem:$0x10000] =	vst v63  }
0x10b: {  	_ =	swait.ge [sflag:s14], $0x1000  }
0x10c: {  	[sflag:s14] =	ssyncset.done $0x0  }
0x10d: {  	s0 =	rddreg [dreg:$0x10];
	[sflag:s14] =	ssyncadd.s32 $0xFFFFF000  }
0x10e: {  	[hbm4b:s0+s4] =	stream.strided.scatter [tilespmem:s31], [sflag:$0x10], $0x1000, s6, s4, $0x38;
	[tilespmem:$0x10000] =	vst v63  }
0x10f: {  	_ =	swait.ge [sflag:s15], $0x1000  }
0x110: {  	[sflag:s15] =	ssyncset.done $0x0  }
0x111: {  	[sflag:s15] =	ssyncadd.s32 $0xFFFFF000  }
0x112: {  	_ =	swait.ge [sflag:s17], $0x1000  }
0x113: {  	[sflag:s17] =	ssyncset.done $0x0  }
0x114: {  	[sflag:s17] =	ssyncadd.s32 $0xFFFFF000  }
0x115: {  	_ =	swait.ge [sflag:s19], $0x1000  }
0x116: {  	[sflag:s19] =	ssyncset.done $0x0  }
0x117: {  	[sflag:s19] =	ssyncadd.s32 $0xFFFFF000  }
0x118: {  	_ =	swait.ge [sflag:s21], $0x1000  }
0x119: {  	[sflag:s21] =	ssyncset.done $0x0  }
0x11a: {  	[sflag:s21] =	ssyncadd.s32 $0xFFFFF000  }
0x11b: {  	_ =	swait.ge [sflag:s23], $0x1000  }
0x11c: {  	[sflag:s23] =	ssyncset.done $0x0  }
0x11d: {  	[sflag:s23] =	ssyncadd.s32 $0xFFFFF000  }
0x11e: {  	_ =	swait.ge [sflag:s25], $0x1000  }
0x11f: {  	[sflag:s25] =	ssyncset.done $0x0  }
0x120: {  	[sflag:s25] =	ssyncadd.s32 $0xFFFFF000  }
0x121: {  	_ =	swait.ge [sflag:s28], $0x1000  }
0x122: {  	[sflag:s28] =	ssyncset.done $0x0  }
0x123: {  	s0 =	simm.s32 $0x10;
	[sflag:s28] =	ssyncadd.s32 $0xFFFFF000  }
0x124: {  	_ =	swait.ge [sflag:s0], $0x1000  }
0x125: {  	s1 =	rddreg [dreg:$0x12]  }
0x126: {  	s7 =	sadd.s32 $0x1, s1;
	s1 =	rddreg [dreg:$0x11]  }
0x127: {  	p0 =	sne.s32 s7, s1  }
.Ltmp1:
0x128: {  	_ = 	snop;
	(pc) =	sbr.rel @p0 .LBB2_1-.Ltmp1, $3  }
0x129: {  	_ =	sdelay $0x1  }
0x12a: {  	[sflag:s0] =	ssyncset.done $0x0  }
0x12b: {  	s30 =	simm.s32 $0x9800;
	[sflag:s0] =	ssyncadd.s32 $0xFFFFF000;
	s0 =	simm.s32 $0x8800  }
0x12c: {  	_ =	sfence.sel $0x180000  }
0x12d: {  	[bflag:$0x0] =	sbarrier.arrive $0xFFFF  }
0x12e: {  	_ =	strace $0x90000047  }
0x12f: {  	s0 =	stileid.u32;
	[bflag:$0x2] =	sbarrier.arrive $0xFFFF  }
0x130: {  	p0 =	sne.s32 s0, $0x0;
	s0 =	rddreg [dreg:$0x3]  }
0x131: {  	s0 =	sadd.s32 @!p0 $0x100000, s0  }
0x132: {  	[sflag:s0] =	ssyncadd.tile.s32 @!p0 $0x1;
	_ =	shalt  }
.Lfunc_end2:
_tile_overlayer_lowered:
.L_overlay_start_2:
0x133: {  	(tag) =	ssettag $0x2  }
0x134: {  	s0 =	rddreg [dreg:$0x0];
	s2 =	stileid.u32  }
0x135: {  	s1 =	rddreg [dreg:$0x1];
	p0 =	sne.s32 s2, $0x0  }
0x136: {  	s3 =	rddreg [dreg:$0x2];
	[bflag:$0x3] =	sbarrier.arrive $0xFFFF;
	s2 =	simm.s32 @!p0 $0x1C11  }
0x137: {  	[timem:s3], [sflag:s2] =	dma.local @!p0 [hbm:s0], s1  }
0x138: {  	s0 =	simm.s32 @!p0 $0x11  }
0x139: {  	_ =	swait.ge @!p0 [sflag:s0], s1  }
0x13a: {  	s1 =	ssub.s32 @!p0 $0x0, s1;
	[sflag:s0] =	ssyncset.done @!p0 $0x0  }
0x13b: {  	[sflag:s0] =	ssyncadd.s32 @!p0 s1  }
0x13c: {  	[bflag:$0x3] =	sbarrier.arrive $0xFFFF  }
0x13d: {  	_ =	shalt  }

</sc_bundles>
